<compile_context>
chip_gen: v7x
topology: tpu7x:2x2x1
jax: 0.10.2.dev20260603
libtpu: 0.0.44.dev20260713+nightly
codegen_flags: <defaults>
</compile_context>

<pallas_src>
import functools
import jax
import jax.numpy as jnp
import numpy as np
from jax.experimental import pallas as pl
from jax.experimental.pallas import tpu as pltpu

_EPS = 1e-6
_K = 20
_KPAD = 32
_RB = 256


def _topk_body(xfb_ref, xfa_ref, tagb_ref, taga_ref, idx_ref):
    xb = xfb_ref[0]
    xa = xfa_ref[0]
    dot = jax.lax.dot_general(xb, xa, (((0,), (0,)), ((), ())),
                              preferred_element_type=jnp.float32)
    sqb = jnp.sum(xb * xb, axis=0)
    sqa = jnp.sum(xa * xa, axis=0)
    pd = 2.0 * dot - sqb[:, None] - sqa[None, :]
    same = tagb_ref[0, 0][:, None] == taga_ref[0, 0][None, :]
    pd = jnp.where(same, pd, -jnp.inf)
    col = jax.lax.broadcasted_iota(jnp.int32, pd.shape, 1)
    for t in range(_K):
        am = jnp.argmax(pd, axis=1).astype(jnp.int32)
        idx_ref[0, t, :] = am
        pd = jnp.where(col == am[:, None], -jnp.inf, pd)
    for t in range(_K, _KPAD):
        idx_ref[0, t, :] = jnp.zeros((_RB,), jnp.int32)


def _knn(xf, tags3):
    b, d, n = xf.shape
    nb = n // _RB
    return pl.pallas_call(
        _topk_body,
        grid=(b, nb),
        in_specs=[
            pl.BlockSpec((1, d, _RB), lambda bi, i: (bi, 0, i)),
            pl.BlockSpec((1, d, n), lambda bi, i: (bi, 0, 0)),
            pl.BlockSpec((1, 1, _RB), lambda bi, i: (bi, 0, i)),
            pl.BlockSpec((1, 1, n), lambda bi, i: (bi, 0, 0)),
        ],
        out_specs=pl.BlockSpec((1, _KPAD, _RB), lambda bi, i: (bi, 0, i)),
        out_shape=jax.ShapeDtypeStruct((b, _KPAD, n), jnp.int32),
    )(xf, xf, tags3, tags3)


def _pad8(xf):
    d = xf.shape[1]
    dp = (-d) % 8
    if dp:
        xf = jnp.pad(xf, ((0, 0), (0, dp), (0, 0)))
    return xf


def _tr(x, node_tag, k):
    bs = x.shape[0]
    n = x.shape[-1]
    xf = x.reshape(bs, -1, n)
    nd = xf.shape[1] // 3
    tags3 = node_tag.astype(jnp.int32).reshape(bs, 1, n)
    idxt = _knn(_pad8(xf), tags3)[:, :k, :]
    xt = jnp.transpose(xf, (0, 2, 1))
    feat = jax.vmap(lambda a, i: a[i])(xt, idxt)
    feat = jnp.transpose(feat, (0, 1, 3, 2)).reshape(bs, k, nd, 3, n)
    xc = xf.reshape(bs, 1, nd, 3, n)
    out = jnp.concatenate(
        [feat - xc, jnp.broadcast_to(xc, (bs, k, nd, 3, n))], axis=2)
    return out


def _vnbn(x):
    norm = jnp.sqrt(jnp.sum(x * x, axis=2)) + _EPS
    axes = (0,) + tuple(range(2, norm.ndim))
    mean = jnp.mean(norm, axis=axes, keepdims=True)
    var = jnp.var(norm, axis=axes, keepdims=True)
    norm_bn = (norm - mean) / jnp.sqrt(var + 1e-5)
    return x / jnp.expand_dims(norm, 2) * jnp.expand_dims(norm_bn, 2)


def _vnll(x, W, D, ns=0.2):
    p = jnp.einsum('bi...,io->bo...', x, W)
    p = _vnbn(p)
    d = jnp.einsum('bi...,io->bo...', x, D)
    dot = jnp.sum(p * d, axis=2, keepdims=True)
    mask = (dot >= 0).astype(x.dtype)
    dns = jnp.sum(d * d, axis=2, keepdims=True)
    return ns * p + (1.0 - ns) * (mask * p + (1.0 - mask) * (p - (dot / (dns + _EPS)) * d))


def _vnmax(x, D):
    d = jnp.einsum('bkicn,io->bkocn', x, D)
    dot = jnp.sum(x * d, axis=3)
    idx = jnp.argmax(dot, axis=1)
    k = x.shape[1]
    sel = (jnp.arange(k, dtype=jnp.int32)[None, :, None, None]
           == idx[:, None, :, :]).astype(x.dtype)
    return jnp.sum(x * sel[:, :, :, None, :], axis=1)


def _vnbn_e(x):
    norm = jnp.sqrt(jnp.sum(x * x, axis=3)) + _EPS
    mean = jnp.mean(norm, axis=(0, 1, 3), keepdims=True)
    var = jnp.var(norm, axis=(0, 1, 3), keepdims=True)
    norm_bn = (norm - mean) / jnp.sqrt(var + 1e-5)
    return x / jnp.expand_dims(norm, 3) * jnp.expand_dims(norm_bn, 3)


def _vnll_e(x, W, D, ns=0.2):
    p = jnp.einsum('bkicn,io->bkocn', x, W)
    p = _vnbn_e(p)
    d = jnp.einsum('bkicn,io->bkocn', x, D)
    dot = jnp.sum(p * d, axis=3, keepdims=True)
    mask = (dot >= 0).astype(x.dtype)
    dns = jnp.sum(d * d, axis=3, keepdims=True)
    return ns * p + (1.0 - ns) * (mask * p + (1.0 - mask) * (p - (dot / (dns + _EPS)) * d))


def _bn1(h):
    mean = jnp.mean(h, axis=0, keepdims=True)
    var = jnp.var(h, axis=0, keepdims=True)
    return (h - mean) / jnp.sqrt(var + 1e-5)


def kernel(x, node_tag, W1, D1, Dp1, W2, D2, Dp2, W3, D3, Dp3, W4, D4, Dp4,
           W5, D5, Ws1, Ds1, Ws2, Ds2, Wlin, Wl1, Wl2, Wl3, bl1, bl2, bl3):
    bs, _, n = x.shape
    h = _tr(x[:, None, :, :], node_tag, _K)
    h = _vnll_e(h, W1, D1); x1 = _vnmax(h, Dp1)
    h = _tr(x1, node_tag, _K)
    h = _vnll_e(h, W2, D2); x2 = _vnmax(h, Dp2)
    h = _tr(x2, node_tag, _K)
    h = _vnll_e(h, W3, D3); x3 = _vnmax(h, Dp3)
    h = _tr(x3, node_tag, _K)
    h = _vnll_e(h, W4, D4); x4 = _vnmax(h, Dp4)
    xc = jnp.concatenate([x1, x2, x3, x4], axis=1)
    h = _vnll(xc, W5, D5)
    xm = jnp.broadcast_to(jnp.mean(h, axis=-1, keepdims=True), h.shape)
    h = jnp.concatenate([h, xm], axis=1)
    z = _vnll(h, Ws1, Ds1)
    z = _vnll(z, Ws2, Ds2)
    z0 = jnp.einsum('bi...,io->bo...', z, Wlin)
    z0 = jnp.transpose(z0, (0, 2, 1, 3))
    xs = jnp.einsum('bijm,bjkm->bikm', h, z0)
    xf = xs.reshape(bs, -1, n)
    g = jnp.concatenate([jnp.max(xf, axis=-1), jnp.mean(xf, axis=-1)], axis=1)
    g = jax.nn.leaky_relu(_bn1(g @ Wl1 + bl1), 0.2)
    g = jax.nn.leaky_relu(_bn1(g @ Wl2 + bl2), 0.2)
    return g @ Wl3 + bl3

# --- scband reference (transcript-rebuilt; emitter-appended) ---
"""Pipeline reference for scband-emogconv-14963666059792 (READ-ONLY COPY).

The authoritative reference and input builder live on the scoring server;
editing this copy changes nothing except your own understanding.
"""

import jax, jax.numpy as jnp
import numpy as np

EPS = 1e-6
K = 20

def _vn_bn(x):
    norm = jnp.sqrt(jnp.sum(x * x, axis=2)) + EPS
    axes = (0,) + tuple(range(2, norm.ndim))
    mean = jnp.mean(norm, axis=axes, keepdims=True)
    var = jnp.var(norm, axis=axes, keepdims=True)
    norm_bn = (norm - mean) / jnp.sqrt(var + 1e-5)
    return x / jnp.expand_dims(norm, 2) * jnp.expand_dims(norm_bn, 2)

def _vn_ll(x, W, D, ns=0.2):
    p = jnp.einsum('bi...,io->bo...', x, W)
    p = _vn_bn(p)
    d = jnp.einsum('bi...,io->bo...', x, D)
    dot = jnp.sum(p * d, axis=2, keepdims=True)
    mask = (dot >= 0).astype(x.dtype)
    dns = jnp.sum(d * d, axis=2, keepdims=True)
    return ns * p + (1.0 - ns) * (mask * p + (1.0 - mask) * (p - (dot / (dns + EPS)) * d))

def _vn_maxpool(x, D):
    d = jnp.einsum('bi...,io->bo...', x, D)
    dot = jnp.sum(x * d, axis=2)
    idx = jnp.argmax(dot, axis=-1)
    idx = jnp.broadcast_to(idx[:, :, None, :, None], x.shape[:-1] + (1,))
    return jnp.take_along_axis(x, idx, axis=-1)[..., 0]

def _transform(x, node_tag, k):
    bs = x.shape[0]; n = x.shape[-1]
    xf = x.reshape(bs, -1, n)
    nd = xf.shape[1] // 3
    inner = -2.0 * jnp.einsum('bdn,bdm->bnm', xf, xf)
    sq = jnp.sum(xf * xf, axis=1)
    pd = -sq[:, :, None] - inner - sq[:, None, :]
    same = node_tag[:, :, None] == node_tag[:, None, :]
    pd = jnp.where(same, pd, -jnp.inf)
    idx = jax.lax.stop_gradient(jax.lax.top_k(pd, k)[1])
    xt = jnp.transpose(xf, (0, 2, 1))
    feat = jax.vmap(lambda a, i: a[i])(xt, idx)
    feat = feat.reshape(bs, n, k, nd, 3)
    xc = jnp.broadcast_to(xt.reshape(bs, n, 1, nd, 3), (bs, n, k, nd, 3))
    out = jnp.concatenate([feat - xc, xc], axis=3)
    return jnp.transpose(out, (0, 3, 4, 1, 2))

def _bn1d(h):
    mean = jnp.mean(h, axis=0, keepdims=True)
    var = jnp.var(h, axis=0, keepdims=True)
    return (h - mean) / jnp.sqrt(var + 1e-5)

def _forward(x, node_tag, W1, D1, Dp1, W2, D2, Dp2, W3, D3, Dp3, W4, D4, Dp4, W5, D5, Ws1, Ds1, Ws2, Ds2, Wlin, Wl1, bl1, Wl2, bl2, Wl3, bl3):
    bs, _, n = x.shape
    h = _transform(x[:, None, :, :], node_tag, K)
    h = _vn_ll(h, W1, D1); x1 = _vn_maxpool(h, Dp1)
    h = _transform(x1, node_tag, K)
    h = _vn_ll(h, W2, D2); x2 = _vn_maxpool(h, Dp2)
    h = _transform(x2, node_tag, K)
    h = _vn_ll(h, W3, D3); x3 = _vn_maxpool(h, Dp3)
    h = _transform(x3, node_tag, K)
    h = _vn_ll(h, W4, D4); x4 = _vn_maxpool(h, Dp4)
    xc = jnp.concatenate([x1, x2, x3, x4], axis=1)
    h = _vn_ll(xc, W5, D5)
    xm = jnp.broadcast_to(jnp.mean(h, axis=-1, keepdims=True), h.shape)
    h = jnp.concatenate([h, xm], axis=1)
    z = _vn_ll(h, Ws1, Ds1)
    z = _vn_ll(z, Ws2, Ds2)
    z0 = jnp.einsum('bi...,io->bo...', z, Wlin)
    z0 = jnp.transpose(z0, (0, 2, 1, 3))
    xs = jnp.einsum('bijm,bjkm->bikm', h, z0)
    xf = xs.reshape(bs, -1, n)
    g = jnp.concatenate([jnp.max(xf, axis=-1), jnp.mean(xf, axis=-1)], axis=1)
    g = jax.nn.leaky_relu(_bn1d(g @ Wl1 + bl1), 0.2)
    g = jax.nn.leaky_relu(_bn1d(g @ Wl2 + bl2), 0.2)
    return g @ Wl3 + bl3

_SHAPES = dict(W1=(2, 21), D1=(2, 21), Dp1=(21, 21), W2=(42, 21), D2=(42, 21), Dp2=(21, 21), W3=(42, 42), D3=(42, 42), Dp3=(42, 42), W4=(84, 85), D4=(84, 85), Dp4=(85, 85), W5=(169, 341), D5=(169, 1), Ws1=(682, 341), Ds1=(682, 341), Ws2=(341, 170), Ds2=(341, 170), Wlin=(170, 3), Wl1=(4092, 512), Wl2=(512, 256), Wl3=(256, 128))

def setup_inputs(seed: int = 0):
    key = jax.random.key(seed)
    inp = {}
    inp['x'] = jax.random.normal(jax.random.fold_in(key, 100), (4, 3, 2048), dtype=jnp.float32)
    inp['node_tag'] = jax.random.randint(jax.random.fold_in(key, 101), (4, 2048), 0, 4)
    for i, (name, s) in enumerate(_SHAPES.items()):
        inp[name] = jax.random.normal(jax.random.fold_in(key, i), s, dtype=jnp.float32) / np.sqrt(s[0])
    inp['bl1'] = jnp.zeros((512,), jnp.float32)
    inp['bl2'] = jnp.zeros((256,), jnp.float32)
    inp['bl3'] = jnp.zeros((128,), jnp.float32)
    return inp

def reference(x, node_tag, W1, D1, Dp1, W2, D2, Dp2, W3, D3, Dp3, W4, D4, Dp4, W5, D5, Ws1, Ds1, Ws2, Ds2, Wlin, Wl1, Wl2, Wl3, bl1, bl2, bl3):
    return _forward(x, node_tag, W1, D1, Dp1, W2, D2, Dp2, W3, D3, Dp3, W4, D4, Dp4, W5, D5, Ws1, Ds1, Ws2, Ds2, Wlin, Wl1, bl1, Wl2, bl2, Wl3, bl3)

if __name__ == "__main__":
    import jax
    _d = setup_inputs()
    print(jax.jit(kernel)(*tuple(_d.values())))

</pallas_src>

<mosaic_0001>
module attributes {stable_mosaic.version = 14 : i64} {
  func.func @_topk_body(%arg0: i32, %arg1: i32, %arg2: memref<1x8x256xf32, #tpu.memory_space<vmem>>, %arg3: memref<1x8x2048xf32, #tpu.memory_space<vmem>>, %arg4: memref<1x1x256xi32, #tpu.memory_space<vmem>>, %arg5: memref<1x1x2048xi32, #tpu.memory_space<vmem>>, %arg6: memref<1x32x256xi32, #tpu.memory_space<vmem>>) attributes {dimension_semantics = [#tpu.dimension_semantics<arbitrary>, #tpu.dimension_semantics<arbitrary>], iteration_bounds = array<i64: 4, 8>, scalar_prefetch = 0 : i64, scratch_operands = 0 : i64, tpu.core_type = #tpu.core_type<tc>, window_params = [{transform_indices = @transform_0, window_bounds = array<i64: 1, 8, 256>}, {transform_indices = @transform_1, window_bounds = array<i64: 1, 8, 2048>}, {transform_indices = @transform_2, window_bounds = array<i64: 1, 1, 256>}, {transform_indices = @transform_3, window_bounds = array<i64: 1, 1, 2048>}, {transform_indices = @transform_4, window_bounds = array<i64: 1, 32, 256>}]} {
    %get3A = arith.constant 0 : index
    %get3A_0 = arith.constant 0 : index
    %get3A_1 = arith.constant 0 : index
    %get3A_2 = vector.load %arg2[%get3A, %get3A_0, %get3A_1] : memref<1x8x256xf32, #tpu.memory_space<vmem>>, vector<1x8x256xf32>
    %get3A_3 = vector.shape_cast %get3A_2 : vector<1x8x256xf32> to vector<8x256xf32>
    %get3A_4 = arith.constant 0 : index
    %get3A_5 = arith.constant 0 : index
    %get3A_6 = arith.constant 0 : index
    %get3A_7 = vector.load %arg3[%get3A_4, %get3A_5, %get3A_6] : memref<1x8x2048xf32, #tpu.memory_space<vmem>>, vector<1x8x2048xf32>
    %get3A_8 = vector.shape_cast %get3A_7 : vector<1x8x2048xf32> to vector<8x2048xf32>
    %dot_general3A = arith.constant dense<0.000000e+00> : vector<256x2048xf32>
    %dot_general3A_9 = tpu.matmul %get3A_3, %get3A_8, %dot_general3A {dimension_numbers = #tpu.dot_dimension_numbers<[0], [0], [1], [1], [0, 1, 1, 1], [], []>, transpose_lhs_hint = false} : vector<8x256xf32>, vector<8x2048xf32>, vector<256x2048xf32> -> vector<256x2048xf32>
    %mul3A = arith.mulf %get3A_3, %get3A_3 : vector<8x256xf32>
    %reduce_sum3A = arith.constant dense<0.000000e+00> : vector<256xf32>
    %reduce_sum3A_10 = vector.multi_reduction <add>, %mul3A, %reduce_sum3A [0] : vector<8x256xf32> to vector<256xf32>
    %mul3A_11 = arith.mulf %get3A_8, %get3A_8 : vector<8x2048xf32>
    %reduce_sum3A_12 = arith.constant dense<0.000000e+00> : vector<2048xf32>
    %reduce_sum3A_13 = vector.multi_reduction <add>, %mul3A_11, %reduce_sum3A_12 [0] : vector<8x2048xf32> to vector<2048xf32>
    %mul3A_14 = arith.constant 2.000000e+00 : f32
    %mul3A_15 = vector.broadcast %mul3A_14 : f32 to vector<256x2048xf32>
    %mul3A_16 = arith.mulf %mul3A_15, %dot_general3A_9 : vector<256x2048xf32>
    %broadcast_in_dim3A = vector.shape_cast %reduce_sum3A_10 : vector<256xf32> to vector<256x1xf32>
    %sub3A = vector.broadcast %broadcast_in_dim3A : vector<256x1xf32> to vector<256x2048xf32>
    %sub3A_17 = arith.subf %mul3A_16, %sub3A : vector<256x2048xf32>
    %broadcast_in_dim3A_18 = vector.shape_cast %reduce_sum3A_13 : vector<2048xf32> to vector<1x2048xf32>
    %sub3A_19 = vector.broadcast %broadcast_in_dim3A_18 : vector<1x2048xf32> to vector<256x2048xf32>
    %sub3A_20 = arith.subf %sub3A_17, %sub3A_19 : vector<256x2048xf32>
    %get3A_21 = arith.constant 0 : index
    %get3A_22 = arith.constant 0 : index
    %get3A_23 = arith.constant 0 : index
    %get3A_24 = vector.load %arg4[%get3A_21, %get3A_22, %get3A_23] : memref<1x1x256xi32, #tpu.memory_space<vmem>>, vector<1x1x256xi32>
    %get3A_25 = vector.shape_cast %get3A_24 : vector<1x1x256xi32> to vector<256xi32>
    %broadcast_in_dim3A_26 = vector.shape_cast %get3A_25 : vector<256xi32> to vector<256x1xi32>
    %get3A_27 = arith.constant 0 : index
    %get3A_28 = arith.constant 0 : index
    %get3A_29 = arith.constant 0 : index
    %get3A_30 = vector.load %arg5[%get3A_27, %get3A_28, %get3A_29] : memref<1x1x2048xi32, #tpu.memory_space<vmem>>, vector<1x1x2048xi32>
    %get3A_31 = vector.shape_cast %get3A_30 : vector<1x1x2048xi32> to vector<2048xi32>
    %broadcast_in_dim3A_32 = vector.shape_cast %get3A_31 : vector<2048xi32> to vector<1x2048xi32>
    %eq3A = vector.broadcast %broadcast_in_dim3A_26 : vector<256x1xi32> to vector<256x2048xi32>
    %eq3A_33 = vector.broadcast %broadcast_in_dim3A_32 : vector<1x2048xi32> to vector<256x2048xi32>
    %eq3A_34 = arith.cmpi eq, %eq3A, %eq3A_33 : vector<256x2048xi32>
    %jit3A = arith.constant 0xFF800000 : f32
    %broadcast_in_dim3A_35 = vector.broadcast %jit3A : f32 to vector<256x2048xf32>
    %select_n3A = arith.select %eq3A_34, %sub3A_20, %broadcast_in_dim3A_35 : vector<256x2048xi1>, vector<256x2048xf32>
    %iota3A = tpu.iota {dimensions = array<i32: 1>} : vector<256x2048xi32>
    %argmax3A = tpu.reduce_index %select_n3A {axis = 1 : i32, kind = #tpu.reduction_kind<arg_max>} : vector<256x2048xf32> -> vector<256xi32>
    %swap3A = arith.constant 0 : index
    %swap3A_36 = arith.constant 0 : index
    %swap3A_37 = arith.constant 0 : index
    %swap3A_38 = vector.load %arg6[%swap3A, %swap3A_36, %swap3A_37] : memref<1x32x256xi32, #tpu.memory_space<vmem>>, vector<1x1x256xi32>
    %swap3A_39 = vector.shape_cast %swap3A_38 : vector<1x1x256xi32> to vector<256xi32>
    %swap3A_40 = vector.shape_cast %argmax3A : vector<256xi32> to vector<1x1x256xi32>
    tpu.vector_store %arg6[%swap3A, %swap3A_36, %swap3A_37], %swap3A_40 {strides = array<i32>} : memref<1x32x256xi32, #tpu.memory_space<vmem>>, vector<1x1x256xi32>,
    %broadcast_in_dim3A_41 = vector.shape_cast %argmax3A : vector<256xi32> to vector<256x1xi32>
    %eq3A_42 = vector.broadcast %broadcast_in_dim3A_41 : vector<256x1xi32> to vector<256x2048xi32>
    %eq3A_43 = arith.cmpi eq, %iota3A, %eq3A_42 : vector<256x2048xi32>
    %jit3A_44 = arith.constant 0xFF800000 : f32
    %broadcast_in_dim3A_45 = vector.broadcast %jit3A_44 : f32 to vector<256x2048xf32>
    %select_n3A_46 = arith.select %eq3A_43, %broadcast_in_dim3A_45, %select_n3A : vector<256x2048xi1>, vector<256x2048xf32>
    %argmax3A_47 = tpu.reduce_index %select_n3A_46 {axis = 1 : i32, kind = #tpu.reduction_kind<arg_max>} : vector<256x2048xf32> -> vector<256xi32>
    %swap3A_48 = arith.constant 0 : index
    %swap3A_49 = arith.constant 1 : index
    %swap3A_50 = arith.constant 0 : index
    %swap3A_51 = vector.load %arg6[%swap3A_48, %swap3A_49, %swap3A_50] : memref<1x32x256xi32, #tpu.memory_space<vmem>>, vector<1x1x256xi32>
    %swap3A_52 = vector.shape_cast %swap3A_51 : vector<1x1x256xi32> to vector<256xi32>
    %swap3A_53 = vector.shape_cast %argmax3A_47 : vector<256xi32> to vector<1x1x256xi32>
    tpu.vector_store %arg6[%swap3A_48, %swap3A_49, %swap3A_50], %swap3A_53 {strides = array<i32>} : memref<1x32x256xi32, #tpu.memory_space<vmem>>, vector<1x1x256xi32>,
    %broadcast_in_dim3A_54 = vector.shape_cast %argmax3A_47 : vector<256xi32> to vector<256x1xi32>
    %eq3A_55 = vector.broadcast %broadcast_in_dim3A_54 : vector<256x1xi32> to vector<256x2048xi32>
    %eq3A_56 = arith.cmpi eq, %iota3A, %eq3A_55 : vector<256x2048xi32>
    %jit3A_57 = arith.constant 0xFF800000 : f32
    %broadcast_in_dim3A_58 = vector.broadcast %jit3A_57 : f32 to vector<256x2048xf32>
    %select_n3A_59 = arith.select %eq3A_56, %broadcast_in_dim3A_58, %select_n3A_46 : vector<256x2048xi1>, vector<256x2048xf32>
    %argmax3A_60 = tpu.reduce_index %select_n3A_59 {axis = 1 : i32, kind = #tpu.reduction_kind<arg_max>} : vector<256x2048xf32> -> vector<256xi32>
    %swap3A_61 = arith.constant 0 : index
    %swap3A_62 = arith.constant 2 : index
    %swap3A_63 = arith.constant 0 : index
    %swap3A_64 = vector.load %arg6[%swap3A_61, %swap3A_62, %swap3A_63] : memref<1x32x256xi32, #tpu.memory_space<vmem>>, vector<1x1x256xi32>
    %swap3A_65 = vector.shape_cast %swap3A_64 : vector<1x1x256xi32> to vector<256xi32>
    %swap3A_66 = vector.shape_cast %argmax3A_60 : vector<256xi32> to vector<1x1x256xi32>
    tpu.vector_store %arg6[%swap3A_61, %swap3A_62, %swap3A_63], %swap3A_66 {strides = array<i32>} : memref<1x32x256xi32, #tpu.memory_space<vmem>>, vector<1x1x256xi32>,
    %broadcast_in_dim3A_67 = vector.shape_cast %argmax3A_60 : vector<256xi32> to vector<256x1xi32>
    %eq3A_68 = vector.broadcast %broadcast_in_dim3A_67 : vector<256x1xi32> to vector<256x2048xi32>
    %eq3A_69 = arith.cmpi eq, %iota3A, %eq3A_68 : vector<256x2048xi32>
    %jit3A_70 = arith.constant 0xFF800000 : f32
    %broadcast_in_dim3A_71 = vector.broadcast %jit3A_70 : f32 to vector<256x2048xf32>
    %select_n3A_72 = arith.select %eq3A_69, %broadcast_in_dim3A_71, %select_n3A_59 : vector<256x2048xi1>, vector<256x2048xf32>
    %argmax3A_73 = tpu.reduce_index %select_n3A_72 {axis = 1 : i32, kind = #tpu.reduction_kind<arg_max>} : vector<256x2048xf32> -> vector<256xi32>
    %swap3A_74 = arith.constant 0 : index
    %swap3A_75 = arith.constant 3 : index
    %swap3A_76 = arith.constant 0 : index
    %swap3A_77 = vector.load %arg6[%swap3A_74, %swap3A_75, %swap3A_76] : memref<1x32x256xi32, #tpu.memory_space<vmem>>, vector<1x1x256xi32>
    %swap3A_78 = vector.shape_cast %swap3A_77 : vector<1x1x256xi32> to vector<256xi32>
    %swap3A_79 = vector.shape_cast %argmax3A_73 : vector<256xi32> to vector<1x1x256xi32>
    tpu.vector_store %arg6[%swap3A_74, %swap3A_75, %swap3A_76], %swap3A_79 {strides = array<i32>} : memref<1x32x256xi32, #tpu.memory_space<vmem>>, vector<1x1x256xi32>,
    %broadcast_in_dim3A_80 = vector.shape_cast %argmax3A_73 : vector<256xi32> to vector<256x1xi32>
    %eq3A_81 = vector.broadcast %broadcast_in_dim3A_80 : vector<256x1xi32> to vector<256x2048xi32>
    %eq3A_82 = arith.cmpi eq, %iota3A, %eq3A_81 : vector<256x2048xi32>
    %jit3A_83 = arith.constant 0xFF800000 : f32
    %broadcast_in_dim3A_84 = vector.broadcast %jit3A_83 : f32 to vector<256x2048xf32>
    %select_n3A_85 = arith.select %eq3A_82, %broadcast_in_dim3A_84, %select_n3A_72 : vector<256x2048xi1>, vector<256x2048xf32>
    %argmax3A_86 = tpu.reduce_index %select_n3A_85 {axis = 1 : i32, kind = #tpu.reduction_kind<arg_max>} : vector<256x2048xf32> -> vector<256xi32>
    %swap3A_87 = arith.constant 0 : index
    %swap3A_88 = arith.constant 4 : index
    %swap3A_89 = arith.constant 0 : index
    %swap3A_90 = vector.load %arg6[%swap3A_87, %swap3A_88, %swap3A_89] : memref<1x32x256xi32, #tpu.memory_space<vmem>>, vector<1x1x256xi32>
    %swap3A_91 = vector.shape_cast %swap3A_90 : vector<1x1x256xi32> to vector<256xi32>
    %swap3A_92 = vector.shape_cast %argmax3A_86 : vector<256xi32> to vector<1x1x256xi32>
    tpu.vector_store %arg6[%swap3A_87, %swap3A_88, %swap3A_89], %swap3A_92 {strides = array<i32>} : memref<1x32x256xi32, #tpu.memory_space<vmem>>, vector<1x1x256xi32>,
    %broadcast_in_dim3A_93 = vector.shape_cast %argmax3A_86 : vector<256xi32> to vector<256x1xi32>
    %eq3A_94 = vector.broadcast %broadcast_in_dim3A_93 : vector<256x1xi32> to vector<256x2048xi32>
    %eq3A_95 = arith.cmpi eq, %iota3A, %eq3A_94 : vector<256x2048xi32>
    %jit3A_96 = arith.constant 0xFF800000 : f32
    %broadcast_in_dim3A_97 = vector.broadcast %jit3A_96 : f32 to vector<256x2048xf32>
    %select_n3A_98 = arith.select %eq3A_95, %broadcast_in_dim3A_97, %select_n3A_85 : vector<256x2048xi1>, vector<256x2048xf32>
    %argmax3A_99 = tpu.reduce_index %select_n3A_98 {axis = 1 : i32, kind = #tpu.reduction_kind<arg_max>} : vector<256x2048xf32> -> vector<256xi32>
    %swap3A_100 = arith.constant 0 : index
    %swap3A_101 = arith.constant 5 : index
    %swap3A_102 = arith.constant 0 : index
    %swap3A_103 = vector.load %arg6[%swap3A_100, %swap3A_101, %swap3A_102] : memref<1x32x256xi32, #tpu.memory_space<vmem>>, vector<1x1x256xi32>
    %swap3A_104 = vector.shape_cast %swap3A_103 : vector<1x1x256xi32> to vector<256xi32>
    %swap3A_105 = vector.shape_cast %argmax3A_99 : vector<256xi32> to vector<1x1x256xi32>
    tpu.vector_store %arg6[%swap3A_100, %swap3A_101, %swap3A_102], %swap3A_105 {strides = array<i32>} : memref<1x32x256xi32, #tpu.memory_space<vmem>>, vector<1x1x256xi32>,
    %broadcast_in_dim3A_106 = vector.shape_cast %argmax3A_99 : vector<256xi32> to vector<256x1xi32>
    %eq3A_107 = vector.broadcast %broadcast_in_dim3A_106 : vector<256x1xi32> to vector<256x2048xi32>
    %eq3A_108 = arith.cmpi eq, %iota3A, %eq3A_107 : vector<256x2048xi32>
    %jit3A_109 = arith.constant 0xFF800000 : f32
    %broadcast_in_dim3A_110 = vector.broadcast %jit3A_109 : f32 to vector<256x2048xf32>
    %select_n3A_111 = arith.select %eq3A_108, %broadcast_in_dim3A_110, %select_n3A_98 : vector<256x2048xi1>, vector<256x2048xf32>
    %argmax3A_112 = tpu.reduce_index %select_n3A_111 {axis = 1 : i32, kind = #tpu.reduction_kind<arg_max>} : vector<256x2048xf32> -> vector<256xi32>
    %swap3A_113 = arith.constant 0 : index
    %swap3A_114 = arith.constant 6 : index
    %swap3A_115 = arith.constant 0 : index
    %swap3A_116 = vector.load %arg6[%swap3A_113, %swap3A_114, %swap3A_115] : memref<1x32x256xi32, #tpu.memory_space<vmem>>, vector<1x1x256xi32>
    %swap3A_117 = vector.shape_cast %swap3A_116 : vector<1x1x256xi32> to vector<256xi32>
    %swap3A_118 = vector.shape_cast %argmax3A_112 : vector<256xi32> to vector<1x1x256xi32>
    tpu.vector_store %arg6[%swap3A_113, %swap3A_114, %swap3A_115], %swap3A_118 {strides = array<i32>} : memref<1x32x256xi32, #tpu.memory_space<vmem>>, vector<1x1x256xi32>,
    %broadcast_in_dim3A_119 = vector.shape_cast %argmax3A_112 : vector<256xi32> to vector<256x1xi32>
    %eq3A_120 = vector.broadcast %broadcast_in_dim3A_119 : vector<256x1xi32> to vector<256x2048xi32>
    %eq3A_121 = arith.cmpi eq, %iota3A, %eq3A_120 : vector<256x2048xi32>
    %jit3A_122 = arith.constant 0xFF800000 : f32
    %broadcast_in_dim3A_123 = vector.broadcast %jit3A_122 : f32 to vector<256x2048xf32>
    %select_n3A_124 = arith.select %eq3A_121, %broadcast_in_dim3A_123, %select_n3A_111 : vector<256x2048xi1>, vector<256x2048xf32>
    %argmax3A_125 = tpu.reduce_index %select_n3A_124 {axis = 1 : i32, kind = #tpu.reduction_kind<arg_max>} : vector<256x2048xf32> -> vector<256xi32>
    %swap3A_126 = arith.constant 0 : index
    %swap3A_127 = arith.constant 7 : index
    %swap3A_128 = arith.constant 0 : index
    %swap3A_129 = vector.load %arg6[%swap3A_126, %swap3A_127, %swap3A_128] : memref<1x32x256xi32, #tpu.memory_space<vmem>>, vector<1x1x256xi32>
    %swap3A_130 = vector.shape_cast %swap3A_129 : vector<1x1x256xi32> to vector<256xi32>
    %swap3A_131 = vector.shape_cast %argmax3A_125 : vector<256xi32> to vector<1x1x256xi32>
    tpu.vector_store %arg6[%swap3A_126, %swap3A_127, %swap3A_128], %swap3A_131 {strides = array<i32>} : memref<1x32x256xi32, #tpu.memory_space<vmem>>, vector<1x1x256xi32>,
    %broadcast_in_dim3A_132 = vector.shape_cast %argmax3A_125 : vector<256xi32> to vector<256x1xi32>
    %eq3A_133 = vector.broadcast %broadcast_in_dim3A_132 : vector<256x1xi32> to vector<256x2048xi32>
    %eq3A_134 = arith.cmpi eq, %iota3A, %eq3A_133 : vector<256x2048xi32>
    %jit3A_135 = arith.constant 0xFF800000 : f32
    %broadcast_in_dim3A_136 = vector.broadcast %jit3A_135 : f32 to vector<256x2048xf32>
    %select_n3A_137 = arith.select %eq3A_134, %broadcast_in_dim3A_136, %select_n3A_124 : vector<256x2048xi1>, vector<256x2048xf32>
    %argmax3A_138 = tpu.reduce_index %select_n3A_137 {axis = 1 : i32, kind = #tpu.reduction_kind<arg_max>} : vector<256x2048xf32> -> vector<256xi32>
    %swap3A_139 = arith.constant 0 : index
    %swap3A_140 = arith.constant 8 : index
    %swap3A_141 = arith.constant 0 : index
    %swap3A_142 = vector.load %arg6[%swap3A_139, %swap3A_140, %swap3A_141] : memref<1x32x256xi32, #tpu.memory_space<vmem>>, vector<1x1x256xi32>
    %swap3A_143 = vector.shape_cast %swap3A_142 : vector<1x1x256xi32> to vector<256xi32>
    %swap3A_144 = vector.shape_cast %argmax3A_138 : vector<256xi32> to vector<1x1x256xi32>
    tpu.vector_store %arg6[%swap3A_139, %swap3A_140, %swap3A_141], %swap3A_144 {strides = array<i32>} : memref<1x32x256xi32, #tpu.memory_space<vmem>>, vector<1x1x256xi32>,
    %broadcast_in_dim3A_145 = vector.shape_cast %argmax3A_138 : vector<256xi32> to vector<256x1xi32>
    %eq3A_146 = vector.broadcast %broadcast_in_dim3A_145 : vector<256x1xi32> to vector<256x2048xi32>
    %eq3A_147 = arith.cmpi eq, %iota3A, %eq3A_146 : vector<256x2048xi32>
    %jit3A_148 = arith.constant 0xFF800000 : f32
    %broadcast_in_dim3A_149 = vector.broadcast %jit3A_148 : f32 to vector<256x2048xf32>
    %select_n3A_150 = arith.select %eq3A_147, %broadcast_in_dim3A_149, %select_n3A_137 : vector<256x2048xi1>, vector<256x2048xf32>
    %argmax3A_151 = tpu.reduce_index %select_n3A_150 {axis = 1 : i32, kind = #tpu.reduction_kind<arg_max>} : vector<256x2048xf32> -> vector<256xi32>
    %swap3A_152 = arith.constant 0 : index
    %swap3A_153 = arith.constant 9 : index
    %swap3A_154 = arith.constant 0 : index
    %swap3A_155 = vector.load %arg6[%swap3A_152, %swap3A_153, %swap3A_154] : memref<1x32x256xi32, #tpu.memory_space<vmem>>, vector<1x1x256xi32>
    %swap3A_156 = vector.shape_cast %swap3A_155 : vector<1x1x256xi32> to vector<256xi32>
    %swap3A_157 = vector.shape_cast %argmax3A_151 : vector<256xi32> to vector<1x1x256xi32>
    tpu.vector_store %arg6[%swap3A_152, %swap3A_153, %swap3A_154], %swap3A_157 {strides = array<i32>} : memref<1x32x256xi32, #tpu.memory_space<vmem>>, vector<1x1x256xi32>,
    %broadcast_in_dim3A_158 = vector.shape_cast %argmax3A_151 : vector<256xi32> to vector<256x1xi32>
    %eq3A_159 = vector.broadcast %broadcast_in_dim3A_158 : vector<256x1xi32> to vector<256x2048xi32>
    %eq3A_160 = arith.cmpi eq, %iota3A, %eq3A_159 : vector<256x2048xi32>
    %jit3A_161 = arith.constant 0xFF800000 : f32
    %broadcast_in_dim3A_162 = vector.broadcast %jit3A_161 : f32 to vector<256x2048xf32>
    %select_n3A_163 = arith.select %eq3A_160, %broadcast_in_dim3A_162, %select_n3A_150 : vector<256x2048xi1>, vector<256x2048xf32>
    %argmax3A_164 = tpu.reduce_index %select_n3A_163 {axis = 1 : i32, kind = #tpu.reduction_kind<arg_max>} : vector<256x2048xf32> -> vector<256xi32>
    %swap3A_165 = arith.constant 0 : index
    %swap3A_166 = arith.constant 10 : index
    %swap3A_167 = arith.constant 0 : index
    %swap3A_168 = vector.load %arg6[%swap3A_165, %swap3A_166, %swap3A_167] : memref<1x32x256xi32, #tpu.memory_space<vmem>>, vector<1x1x256xi32>
    %swap3A_169 = vector.shape_cast %swap3A_168 : vector<1x1x256xi32> to vector<256xi32>
    %swap3A_170 = vector.shape_cast %argmax3A_164 : vector<256xi32> to vector<1x1x256xi32>
    tpu.vector_store %arg6[%swap3A_165, %swap3A_166, %swap3A_167], %swap3A_170 {strides = array<i32>} : memref<1x32x256xi32, #tpu.memory_space<vmem>>, vector<1x1x256xi32>,
    %broadcast_in_dim3A_171 = vector.shape_cast %argmax3A_164 : vector<256xi32> to vector<256x1xi32>
    %eq3A_172 = vector.broadcast %broadcast_in_dim3A_171 : vector<256x1xi32> to vector<256x2048xi32>
    %eq3A_173 = arith.cmpi eq, %iota3A, %eq3A_172 : vector<256x2048xi32>
    %jit3A_174 = arith.constant 0xFF800000 : f32
    %broadcast_in_dim3A_175 = vector.broadcast %jit3A_174 : f32 to vector<256x2048xf32>
    %select_n3A_176 = arith.select %eq3A_173, %broadcast_in_dim3A_175, %select_n3A_163 : vector<256x2048xi1>, vector<256x2048xf32>
    %argmax3A_177 = tpu.reduce_index %select_n3A_176 {axis = 1 : i32, kind = #tpu.reduction_kind<arg_max>} : vector<256x2048xf32> -> vector<256xi32>
    %swap3A_178 = arith.constant 0 : index
    %swap3A_179 = arith.constant 11 : index
    %swap3A_180 = arith.constant 0 : index
    %swap3A_181 = vector.load %arg6[%swap3A_178, %swap3A_179, %swap3A_180] : memref<1x32x256xi32, #tpu.memory_space<vmem>>, vector<1x1x256xi32>
    %swap3A_182 = vector.shape_cast %swap3A_181 : vector<1x1x256xi32> to vector<256xi32>
    %swap3A_183 = vector.shape_cast %argmax3A_177 : vector<256xi32> to vector<1x1x256xi32>
    tpu.vector_store %arg6[%swap3A_178, %swap3A_179, %swap3A_180], %swap3A_183 {strides = array<i32>} : memref<1x32x256xi32, #tpu.memory_space<vmem>>, vector<1x1x256xi32>,
    %broadcast_in_dim3A_184 = vector.shape_cast %argmax3A_177 : vector<256xi32> to vector<256x1xi32>
    %eq3A_185 = vector.broadcast %broadcast_in_dim3A_184 : vector<256x1xi32> to vector<256x2048xi32>
    %eq3A_186 = arith.cmpi eq, %iota3A, %eq3A_185 : vector<256x2048xi32>
    %jit3A_187 = arith.constant 0xFF800000 : f32
    %broadcast_in_dim3A_188 = vector.broadcast %jit3A_187 : f32 to vector<256x2048xf32>
    %select_n3A_189 = arith.select %eq3A_186, %broadcast_in_dim3A_188, %select_n3A_176 : vector<256x2048xi1>, vector<256x2048xf32>
    %argmax3A_190 = tpu.reduce_index %select_n3A_189 {axis = 1 : i32, kind = #tpu.reduction_kind<arg_max>} : vector<256x2048xf32> -> vector<256xi32>
    %swap3A_191 = arith.constant 0 : index
    %swap3A_192 = arith.constant 12 : index
    %swap3A_193 = arith.constant 0 : index
    %swap3A_194 = vector.load %arg6[%swap3A_191, %swap3A_192, %swap3A_193] : memref<1x32x256xi32, #tpu.memory_space<vmem>>, vector<1x1x256xi32>
    %swap3A_195 = vector.shape_cast %swap3A_194 : vector<1x1x256xi32> to vector<256xi32>
    %swap3A_196 = vector.shape_cast %argmax3A_190 : vector<256xi32> to vector<1x1x256xi32>
    tpu.vector_store %arg6[%swap3A_191, %swap3A_192, %swap3A_193], %swap3A_196 {strides = array<i32>} : memref<1x32x256xi32, #tpu.memory_space<vmem>>, vector<1x1x256xi32>,
    %broadcast_in_dim3A_197 = vector.shape_cast %argmax3A_190 : vector<256xi32> to vector<256x1xi32>
    %eq3A_198 = vector.broadcast %broadcast_in_dim3A_197 : vector<256x1xi32> to vector<256x2048xi32>
    %eq3A_199 = arith.cmpi eq, %iota3A, %eq3A_198 : vector<256x2048xi32>
    %jit3A_200 = arith.constant 0xFF800000 : f32
    %broadcast_in_dim3A_201 = vector.broadcast %jit3A_200 : f32 to vector<256x2048xf32>
    %select_n3A_202 = arith.select %eq3A_199, %broadcast_in_dim3A_201, %select_n3A_189 : vector<256x2048xi1>, vector<256x2048xf32>
    %argmax3A_203 = tpu.reduce_index %select_n3A_202 {axis = 1 : i32, kind = #tpu.reduction_kind<arg_max>} : vector<256x2048xf32> -> vector<256xi32>
    %swap3A_204 = arith.constant 0 : index
    %swap3A_205 = arith.constant 13 : index
    %swap3A_206 = arith.constant 0 : index
    %swap3A_207 = vector.load %arg6[%swap3A_204, %swap3A_205, %swap3A_206] : memref<1x32x256xi32, #tpu.memory_space<vmem>>, vector<1x1x256xi32>
    %swap3A_208 = vector.shape_cast %swap3A_207 : vector<1x1x256xi32> to vector<256xi32>
    %swap3A_209 = vector.shape_cast %argmax3A_203 : vector<256xi32> to vector<1x1x256xi32>
    tpu.vector_store %arg6[%swap3A_204, %swap3A_205, %swap3A_206], %swap3A_209 {strides = array<i32>} : memref<1x32x256xi32, #tpu.memory_space<vmem>>, vector<1x1x256xi32>,
    %broadcast_in_dim3A_210 = vector.shape_cast %argmax3A_203 : vector<256xi32> to vector<256x1xi32>
    %eq3A_211 = vector.broadcast %broadcast_in_dim3A_210 : vector<256x1xi32> to vector<256x2048xi32>
    %eq3A_212 = arith.cmpi eq, %iota3A, %eq3A_211 : vector<256x2048xi32>
    %jit3A_213 = arith.constant 0xFF800000 : f32
    %broadcast_in_dim3A_214 = vector.broadcast %jit3A_213 : f32 to vector<256x2048xf32>
    %select_n3A_215 = arith.select %eq3A_212, %broadcast_in_dim3A_214, %select_n3A_202 : vector<256x2048xi1>, vector<256x2048xf32>
    %argmax3A_216 = tpu.reduce_index %select_n3A_215 {axis = 1 : i32, kind = #tpu.reduction_kind<arg_max>} : vector<256x2048xf32> -> vector<256xi32>
    %swap3A_217 = arith.constant 0 : index
    %swap3A_218 = arith.constant 14 : index
    %swap3A_219 = arith.constant 0 : index
    %swap3A_220 = vector.load %arg6[%swap3A_217, %swap3A_218, %swap3A_219] : memref<1x32x256xi32, #tpu.memory_space<vmem>>, vector<1x1x256xi32>
    %swap3A_221 = vector.shape_cast %swap3A_220 : vector<1x1x256xi32> to vector<256xi32>
    %swap3A_222 = vector.shape_cast %argmax3A_216 : vector<256xi32> to vector<1x1x256xi32>
    tpu.vector_store %arg6[%swap3A_217, %swap3A_218, %swap3A_219], %swap3A_222 {strides = array<i32>} : memref<1x32x256xi32, #tpu.memory_space<vmem>>, vector<1x1x256xi32>,
    %broadcast_in_dim3A_223 = vector.shape_cast %argmax3A_216 : vector<256xi32> to vector<256x1xi32>
    %eq3A_224 = vector.broadcast %broadcast_in_dim3A_223 : vector<256x1xi32> to vector<256x2048xi32>
    %eq3A_225 = arith.cmpi eq, %iota3A, %eq3A_224 : vector<256x2048xi32>
    %jit3A_226 = arith.constant 0xFF800000 : f32
    %broadcast_in_dim3A_227 = vector.broadcast %jit3A_226 : f32 to vector<256x2048xf32>
    %select_n3A_228 = arith.select %eq3A_225, %broadcast_in_dim3A_227, %select_n3A_215 : vector<256x2048xi1>, vector<256x2048xf32>
    %argmax3A_229 = tpu.reduce_index %select_n3A_228 {axis = 1 : i32, kind = #tpu.reduction_kind<arg_max>} : vector<256x2048xf32> -> vector<256xi32>
    %swap3A_230 = arith.constant 0 : index
    %swap3A_231 = arith.constant 15 : index
    %swap3A_232 = arith.constant 0 : index
    %swap3A_233 = vector.load %arg6[%swap3A_230, %swap3A_231, %swap3A_232] : memref<1x32x256xi32, #tpu.memory_space<vmem>>, vector<1x1x256xi32>
    %swap3A_234 = vector.shape_cast %swap3A_233 : vector<1x1x256xi32> to vector<256xi32>
    %swap3A_235 = vector.shape_cast %argmax3A_229 : vector<256xi32> to vector<1x1x256xi32>
    tpu.vector_store %arg6[%swap3A_230, %swap3A_231, %swap3A_232], %swap3A_235 {strides = array<i32>} : memref<1x32x256xi32, #tpu.memory_space<vmem>>, vector<1x1x256xi32>,
    %broadcast_in_dim3A_236 = vector.shape_cast %argmax3A_229 : vector<256xi32> to vector<256x1xi32>
    %eq3A_237 = vector.broadcast %broadcast_in_dim3A_236 : vector<256x1xi32> to vector<256x2048xi32>
    %eq3A_238 = arith.cmpi eq, %iota3A, %eq3A_237 : vector<256x2048xi32>
    %jit3A_239 = arith.constant 0xFF800000 : f32
    %broadcast_in_dim3A_240 = vector.broadcast %jit3A_239 : f32 to vector<256x2048xf32>
    %select_n3A_241 = arith.select %eq3A_238, %broadcast_in_dim3A_240, %select_n3A_228 : vector<256x2048xi1>, vector<256x2048xf32>
    %argmax3A_242 = tpu.reduce_index %select_n3A_241 {axis = 1 : i32, kind = #tpu.reduction_kind<arg_max>} : vector<256x2048xf32> -> vector<256xi32>
    %swap3A_243 = arith.constant 0 : index
    %swap3A_244 = arith.constant 16 : index
    %swap3A_245 = arith.constant 0 : index
    %swap3A_246 = vector.load %arg6[%swap3A_243, %swap3A_244, %swap3A_245] : memref<1x32x256xi32, #tpu.memory_space<vmem>>, vector<1x1x256xi32>
    %swap3A_247 = vector.shape_cast %swap3A_246 : vector<1x1x256xi32> to vector<256xi32>
    %swap3A_248 = vector.shape_cast %argmax3A_242 : vector<256xi32> to vector<1x1x256xi32>
    tpu.vector_store %arg6[%swap3A_243, %swap3A_244, %swap3A_245], %swap3A_248 {strides = array<i32>} : memref<1x32x256xi32, #tpu.memory_space<vmem>>, vector<1x1x256xi32>,
    %broadcast_in_dim3A_249 = vector.shape_cast %argmax3A_242 : vector<256xi32> to vector<256x1xi32>
    %eq3A_250 = vector.broadcast %broadcast_in_dim3A_249 : vector<256x1xi32> to vector<256x2048xi32>
    %eq3A_251 = arith.cmpi eq, %iota3A, %eq3A_250 : vector<256x2048xi32>
    %jit3A_252 = arith.constant 0xFF800000 : f32
    %broadcast_in_dim3A_253 = vector.broadcast %jit3A_252 : f32 to vector<256x2048xf32>
    %select_n3A_254 = arith.select %eq3A_251, %broadcast_in_dim3A_253, %select_n3A_241 : vector<256x2048xi1>, vector<256x2048xf32>
    %argmax3A_255 = tpu.reduce_index %select_n3A_254 {axis = 1 : i32, kind = #tpu.reduction_kind<arg_max>} : vector<256x2048xf32> -> vector<256xi32>
    %swap3A_256 = arith.constant 0 : index
    %swap3A_257 = arith.constant 17 : index
    %swap3A_258 = arith.constant 0 : index
    %swap3A_259 = vector.load %arg6[%swap3A_256, %swap3A_257, %swap3A_258] : memref<1x32x256xi32, #tpu.memory_space<vmem>>, vector<1x1x256xi32>
    %swap3A_260 = vector.shape_cast %swap3A_259 : vector<1x1x256xi32> to vector<256xi32>
    %swap3A_261 = vector.shape_cast %argmax3A_255 : vector<256xi32> to vector<1x1x256xi32>
    tpu.vector_store %arg6[%swap3A_256, %swap3A_257, %swap3A_258], %swap3A_261 {strides = array<i32>} : memref<1x32x256xi32, #tpu.memory_space<vmem>>, vector<1x1x256xi32>,
    %broadcast_in_dim3A_262 = vector.shape_cast %argmax3A_255 : vector<256xi32> to vector<256x1xi32>
    %eq3A_263 = vector.broadcast %broadcast_in_dim3A_262 : vector<256x1xi32> to vector<256x2048xi32>
    %eq3A_264 = arith.cmpi eq, %iota3A, %eq3A_263 : vector<256x2048xi32>
    %jit3A_265 = arith.constant 0xFF800000 : f32
    %broadcast_in_dim3A_266 = vector.broadcast %jit3A_265 : f32 to vector<256x2048xf32>
    %select_n3A_267 = arith.select %eq3A_264, %broadcast_in_dim3A_266, %select_n3A_254 : vector<256x2048xi1>, vector<256x2048xf32>
    %argmax3A_268 = tpu.reduce_index %select_n3A_267 {axis = 1 : i32, kind = #tpu.reduction_kind<arg_max>} : vector<256x2048xf32> -> vector<256xi32>
    %swap3A_269 = arith.constant 0 : index
    %swap3A_270 = arith.constant 18 : index
    %swap3A_271 = arith.constant 0 : index
    %swap3A_272 = vector.load %arg6[%swap3A_269, %swap3A_270, %swap3A_271] : memref<1x32x256xi32, #tpu.memory_space<vmem>>, vector<1x1x256xi32>
    %swap3A_273 = vector.shape_cast %swap3A_272 : vector<1x1x256xi32> to vector<256xi32>
    %swap3A_274 = vector.shape_cast %argmax3A_268 : vector<256xi32> to vector<1x1x256xi32>
    tpu.vector_store %arg6[%swap3A_269, %swap3A_270, %swap3A_271], %swap3A_274 {strides = array<i32>} : memref<1x32x256xi32, #tpu.memory_space<vmem>>, vector<1x1x256xi32>,
    %broadcast_in_dim3A_275 = vector.shape_cast %argmax3A_268 : vector<256xi32> to vector<256x1xi32>
    %eq3A_276 = vector.broadcast %broadcast_in_dim3A_275 : vector<256x1xi32> to vector<256x2048xi32>
    %eq3A_277 = arith.cmpi eq, %iota3A, %eq3A_276 : vector<256x2048xi32>
    %jit3A_278 = arith.constant 0xFF800000 : f32
    %broadcast_in_dim3A_279 = vector.broadcast %jit3A_278 : f32 to vector<256x2048xf32>
    %select_n3A_280 = arith.select %eq3A_277, %broadcast_in_dim3A_279, %select_n3A_267 : vector<256x2048xi1>, vector<256x2048xf32>
    %argmax3A_281 = tpu.reduce_index %select_n3A_280 {axis = 1 : i32, kind = #tpu.reduction_kind<arg_max>} : vector<256x2048xf32> -> vector<256xi32>
    %swap3A_282 = arith.constant 0 : index
    %swap3A_283 = arith.constant 19 : index
    %swap3A_284 = arith.constant 0 : index
    %swap3A_285 = vector.load %arg6[%swap3A_282, %swap3A_283, %swap3A_284] : memref<1x32x256xi32, #tpu.memory_space<vmem>>, vector<1x1x256xi32>
    %swap3A_286 = vector.shape_cast %swap3A_285 : vector<1x1x256xi32> to vector<256xi32>
    %swap3A_287 = vector.shape_cast %argmax3A_281 : vector<256xi32> to vector<1x1x256xi32>
    tpu.vector_store %arg6[%swap3A_282, %swap3A_283, %swap3A_284], %swap3A_287 {strides = array<i32>} : memref<1x32x256xi32, #tpu.memory_space<vmem>>, vector<1x1x256xi32>,
    %broadcast_in_dim3A_288 = arith.constant 0 : i32
    %broadcast_in_dim3A_289 = vector.broadcast %broadcast_in_dim3A_288 : i32 to vector<256xi32>
    %swap3A_290 = arith.constant 0 : index
    %swap3A_291 = arith.constant 20 : index
    %swap3A_292 = arith.constant 0 : index
    %swap3A_293 = vector.load %arg6[%swap3A_290, %swap3A_291, %swap3A_292] : memref<1x32x256xi32, #tpu.memory_space<vmem>>, vector<1x1x256xi32>
    %swap3A_294 = vector.shape_cast %swap3A_293 : vector<1x1x256xi32> to vector<256xi32>
    %swap3A_295 = vector.shape_cast %broadcast_in_dim3A_289 : vector<256xi32> to vector<1x1x256xi32>
    tpu.vector_store %arg6[%swap3A_290, %swap3A_291, %swap3A_292], %swap3A_295 {strides = array<i32>} : memref<1x32x256xi32, #tpu.memory_space<vmem>>, vector<1x1x256xi32>,
    %broadcast_in_dim3A_296 = arith.constant 0 : i32
    %broadcast_in_dim3A_297 = vector.broadcast %broadcast_in_dim3A_296 : i32 to vector<256xi32>
    %swap3A_298 = arith.constant 0 : index
    %swap3A_299 = arith.constant 21 : index
    %swap3A_300 = arith.constant 0 : index
    %swap3A_301 = vector.load %arg6[%swap3A_298, %swap3A_299, %swap3A_300] : memref<1x32x256xi32, #tpu.memory_space<vmem>>, vector<1x1x256xi32>
    %swap3A_302 = vector.shape_cast %swap3A_301 : vector<1x1x256xi32> to vector<256xi32>
    %swap3A_303 = vector.shape_cast %broadcast_in_dim3A_297 : vector<256xi32> to vector<1x1x256xi32>
    tpu.vector_store %arg6[%swap3A_298, %swap3A_299, %swap3A_300], %swap3A_303 {strides = array<i32>} : memref<1x32x256xi32, #tpu.memory_space<vmem>>, vector<1x1x256xi32>,
    %broadcast_in_dim3A_304 = arith.constant 0 : i32
    %broadcast_in_dim3A_305 = vector.broadcast %broadcast_in_dim3A_304 : i32 to vector<256xi32>
    %swap3A_306 = arith.constant 0 : index
    %swap3A_307 = arith.constant 22 : index
    %swap3A_308 = arith.constant 0 : index
    %swap3A_309 = vector.load %arg6[%swap3A_306, %swap3A_307, %swap3A_308] : memref<1x32x256xi32, #tpu.memory_space<vmem>>, vector<1x1x256xi32>
    %swap3A_310 = vector.shape_cast %swap3A_309 : vector<1x1x256xi32> to vector<256xi32>
    %swap3A_311 = vector.shape_cast %broadcast_in_dim3A_305 : vector<256xi32> to vector<1x1x256xi32>
    tpu.vector_store %arg6[%swap3A_306, %swap3A_307, %swap3A_308], %swap3A_311 {strides = array<i32>} : memref<1x32x256xi32, #tpu.memory_space<vmem>>, vector<1x1x256xi32>,
    %broadcast_in_dim3A_312 = arith.constant 0 : i32
    %broadcast_in_dim3A_313 = vector.broadcast %broadcast_in_dim3A_312 : i32 to vector<256xi32>
    %swap3A_314 = arith.constant 0 : index
    %swap3A_315 = arith.constant 23 : index
    %swap3A_316 = arith.constant 0 : index
    %swap3A_317 = vector.load %arg6[%swap3A_314, %swap3A_315, %swap3A_316] : memref<1x32x256xi32, #tpu.memory_space<vmem>>, vector<1x1x256xi32>
    %swap3A_318 = vector.shape_cast %swap3A_317 : vector<1x1x256xi32> to vector<256xi32>
    %swap3A_319 = vector.shape_cast %broadcast_in_dim3A_313 : vector<256xi32> to vector<1x1x256xi32>
    tpu.vector_store %arg6[%swap3A_314, %swap3A_315, %swap3A_316], %swap3A_319 {strides = array<i32>} : memref<1x32x256xi32, #tpu.memory_space<vmem>>, vector<1x1x256xi32>,
    %broadcast_in_dim3A_320 = arith.constant 0 : i32
    %broadcast_in_dim3A_321 = vector.broadcast %broadcast_in_dim3A_320 : i32 to vector<256xi32>
    %swap3A_322 = arith.constant 0 : index
    %swap3A_323 = arith.constant 24 : index
    %swap3A_324 = arith.constant 0 : index
    %swap3A_325 = vector.load %arg6[%swap3A_322, %swap3A_323, %swap3A_324] : memref<1x32x256xi32, #tpu.memory_space<vmem>>, vector<1x1x256xi32>
    %swap3A_326 = vector.shape_cast %swap3A_325 : vector<1x1x256xi32> to vector<256xi32>
    %swap3A_327 = vector.shape_cast %broadcast_in_dim3A_321 : vector<256xi32> to vector<1x1x256xi32>
    tpu.vector_store %arg6[%swap3A_322, %swap3A_323, %swap3A_324], %swap3A_327 {strides = array<i32>} : memref<1x32x256xi32, #tpu.memory_space<vmem>>, vector<1x1x256xi32>,
    %broadcast_in_dim3A_328 = arith.constant 0 : i32
    %broadcast_in_dim3A_329 = vector.broadcast %broadcast_in_dim3A_328 : i32 to vector<256xi32>
    %swap3A_330 = arith.constant 0 : index
    %swap3A_331 = arith.constant 25 : index
    %swap3A_332 = arith.constant 0 : index
    %swap3A_333 = vector.load %arg6[%swap3A_330, %swap3A_331, %swap3A_332] : memref<1x32x256xi32, #tpu.memory_space<vmem>>, vector<1x1x256xi32>
    %swap3A_334 = vector.shape_cast %swap3A_333 : vector<1x1x256xi32> to vector<256xi32>
    %swap3A_335 = vector.shape_cast %broadcast_in_dim3A_329 : vector<256xi32> to vector<1x1x256xi32>
    tpu.vector_store %arg6[%swap3A_330, %swap3A_331, %swap3A_332], %swap3A_335 {strides = array<i32>} : memref<1x32x256xi32, #tpu.memory_space<vmem>>, vector<1x1x256xi32>,
    %broadcast_in_dim3A_336 = arith.constant 0 : i32
    %broadcast_in_dim3A_337 = vector.broadcast %broadcast_in_dim3A_336 : i32 to vector<256xi32>
    %swap3A_338 = arith.constant 0 : index
    %swap3A_339 = arith.constant 26 : index
    %swap3A_340 = arith.constant 0 : index
    %swap3A_341 = vector.load %arg6[%swap3A_338, %swap3A_339, %swap3A_340] : memref<1x32x256xi32, #tpu.memory_space<vmem>>, vector<1x1x256xi32>
    %swap3A_342 = vector.shape_cast %swap3A_341 : vector<1x1x256xi32> to vector<256xi32>
    %swap3A_343 = vector.shape_cast %broadcast_in_dim3A_337 : vector<256xi32> to vector<1x1x256xi32>
    tpu.vector_store %arg6[%swap3A_338, %swap3A_339, %swap3A_340], %swap3A_343 {strides = array<i32>} : memref<1x32x256xi32, #tpu.memory_space<vmem>>, vector<1x1x256xi32>,
    %broadcast_in_dim3A_344 = arith.constant 0 : i32
    %broadcast_in_dim3A_345 = vector.broadcast %broadcast_in_dim3A_344 : i32 to vector<256xi32>
    %swap3A_346 = arith.constant 0 : index
    %swap3A_347 = arith.constant 27 : index
    %swap3A_348 = arith.constant 0 : index
    %swap3A_349 = vector.load %arg6[%swap3A_346, %swap3A_347, %swap3A_348] : memref<1x32x256xi32, #tpu.memory_space<vmem>>, vector<1x1x256xi32>
    %swap3A_350 = vector.shape_cast %swap3A_349 : vector<1x1x256xi32> to vector<256xi32>
    %swap3A_351 = vector.shape_cast %broadcast_in_dim3A_345 : vector<256xi32> to vector<1x1x256xi32>
    tpu.vector_store %arg6[%swap3A_346, %swap3A_347, %swap3A_348], %swap3A_351 {strides = array<i32>} : memref<1x32x256xi32, #tpu.memory_space<vmem>>, vector<1x1x256xi32>,
    %broadcast_in_dim3A_352 = arith.constant 0 : i32
    %broadcast_in_dim3A_353 = vector.broadcast %broadcast_in_dim3A_352 : i32 to vector<256xi32>
    %swap3A_354 = arith.constant 0 : index
    %swap3A_355 = arith.constant 28 : index
    %swap3A_356 = arith.constant 0 : index
    %swap3A_357 = vector.load %arg6[%swap3A_354, %swap3A_355, %swap3A_356] : memref<1x32x256xi32, #tpu.memory_space<vmem>>, vector<1x1x256xi32>
    %swap3A_358 = vector.shape_cast %swap3A_357 : vector<1x1x256xi32> to vector<256xi32>
    %swap3A_359 = vector.shape_cast %broadcast_in_dim3A_353 : vector<256xi32> to vector<1x1x256xi32>
    tpu.vector_store %arg6[%swap3A_354, %swap3A_355, %swap3A_356], %swap3A_359 {strides = array<i32>} : memref<1x32x256xi32, #tpu.memory_space<vmem>>, vector<1x1x256xi32>,
    %broadcast_in_dim3A_360 = arith.constant 0 : i32
    %broadcast_in_dim3A_361 = vector.broadcast %broadcast_in_dim3A_360 : i32 to vector<256xi32>
    %swap3A_362 = arith.constant 0 : index
    %swap3A_363 = arith.constant 29 : index
    %swap3A_364 = arith.constant 0 : index
    %swap3A_365 = vector.load %arg6[%swap3A_362, %swap3A_363, %swap3A_364] : memref<1x32x256xi32, #tpu.memory_space<vmem>>, vector<1x1x256xi32>
    %swap3A_366 = vector.shape_cast %swap3A_365 : vector<1x1x256xi32> to vector<256xi32>
    %swap3A_367 = vector.shape_cast %broadcast_in_dim3A_361 : vector<256xi32> to vector<1x1x256xi32>
    tpu.vector_store %arg6[%swap3A_362, %swap3A_363, %swap3A_364], %swap3A_367 {strides = array<i32>} : memref<1x32x256xi32, #tpu.memory_space<vmem>>, vector<1x1x256xi32>,
    %broadcast_in_dim3A_368 = arith.constant 0 : i32
    %broadcast_in_dim3A_369 = vector.broadcast %broadcast_in_dim3A_368 : i32 to vector<256xi32>
    %swap3A_370 = arith.constant 0 : index
    %swap3A_371 = arith.constant 30 : index
    %swap3A_372 = arith.constant 0 : index
    %swap3A_373 = vector.load %arg6[%swap3A_370, %swap3A_371, %swap3A_372] : memref<1x32x256xi32, #tpu.memory_space<vmem>>, vector<1x1x256xi32>
    %swap3A_374 = vector.shape_cast %swap3A_373 : vector<1x1x256xi32> to vector<256xi32>
    %swap3A_375 = vector.shape_cast %broadcast_in_dim3A_369 : vector<256xi32> to vector<1x1x256xi32>
    tpu.vector_store %arg6[%swap3A_370, %swap3A_371, %swap3A_372], %swap3A_375 {strides = array<i32>} : memref<1x32x256xi32, #tpu.memory_space<vmem>>, vector<1x1x256xi32>,
    %broadcast_in_dim3A_376 = arith.constant 0 : i32
    %broadcast_in_dim3A_377 = vector.broadcast %broadcast_in_dim3A_376 : i32 to vector<256xi32>
    %swap3A_378 = arith.constant 0 : index
    %swap3A_379 = arith.constant 31 : index
    %swap3A_380 = arith.constant 0 : index
    %swap3A_381 = vector.load %arg6[%swap3A_378, %swap3A_379, %swap3A_380] : memref<1x32x256xi32, #tpu.memory_space<vmem>>, vector<1x1x256xi32>
    %swap3A_382 = vector.shape_cast %swap3A_381 : vector<1x1x256xi32> to vector<256xi32>
    %swap3A_383 = vector.shape_cast %broadcast_in_dim3A_377 : vector<256xi32> to vector<1x1x256xi32>
    tpu.vector_store %arg6[%swap3A_378, %swap3A_379, %swap3A_380], %swap3A_383 {strides = array<i32>} : memref<1x32x256xi32, #tpu.memory_space<vmem>>, vector<1x1x256xi32>,
    return
  }
  func.func @transform_0(%arg0: i32, %arg1: i32) -> (i32, i32, i32) {
    %c0_i32 = arith.constant 0 : i32
    %c0_i32_0 = arith.constant 0 : i32
    return %arg0, %c0_i32, %arg1 : i32, i32, i32
  }
  func.func @transform_1(%arg0: i32, %arg1: i32) -> (i32, i32, i32) {
    %c0_i32 = arith.constant 0 : i32
    %c0_i32_0 = arith.constant 0 : i32
    %c0_i32_1 = arith.constant 0 : i32
    return %arg0, %c0_i32, %c0_i32_0 : i32, i32, i32
  }
  func.func @transform_2(%arg0: i32, %arg1: i32) -> (i32, i32, i32) {
    %c0_i32 = arith.constant 0 : i32
    %c0_i32_0 = arith.constant 0 : i32
    return %arg0, %c0_i32, %arg1 : i32, i32, i32
  }
  func.func @transform_3(%arg0: i32, %arg1: i32) -> (i32, i32, i32) {
    %c0_i32 = arith.constant 0 : i32
    %c0_i32_0 = arith.constant 0 : i32
    %c0_i32_1 = arith.constant 0 : i32
    return %arg0, %c0_i32, %c0_i32_0 : i32, i32, i32
  }
  func.func @transform_4(%arg0: i32, %arg1: i32) -> (i32, i32, i32) {
    %c0_i32 = arith.constant 0 : i32
    %c0_i32_0 = arith.constant 0 : i32
    return %arg0, %c0_i32, %arg1 : i32, i32, i32
  }
}

module attributes {stable_mosaic.version = 14 : i64} {
  func.func @_topk_body(%arg0: i32, %arg1: i32, %arg2: memref<1x64x256xf32, #tpu.memory_space<vmem>>, %arg3: memref<1x64x2048xf32, #tpu.memory_space<vmem>>, %arg4: memref<1x1x256xi32, #tpu.memory_space<vmem>>, %arg5: memref<1x1x2048xi32, #tpu.memory_space<vmem>>, %arg6: memref<1x32x256xi32, #tpu.memory_space<vmem>>) attributes {dimension_semantics = [#tpu.dimension_semantics<arbitrary>, #tpu.dimension_semantics<arbitrary>], iteration_bounds = array<i64: 4, 8>, scalar_prefetch = 0 : i64, scratch_operands = 0 : i64, tpu.core_type = #tpu.core_type<tc>, window_params = [{transform_indices = @transform_0, window_bounds = array<i64: 1, 64, 256>}, {transform_indices = @transform_1, window_bounds = array<i64: 1, 64, 2048>}, {transform_indices = @transform_2, window_bounds = array<i64: 1, 1, 256>}, {transform_indices = @transform_3, window_bounds = array<i64: 1, 1, 2048>}, {transform_indices = @transform_4, window_bounds = array<i64: 1, 32, 256>}]} {
    %get3A = arith.constant 0 : index
    %get3A_0 = arith.constant 0 : index
    %get3A_1 = arith.constant 0 : index
    %get3A_2 = vector.load %arg2[%get3A, %get3A_0, %get3A_1] : memref<1x64x256xf32, #tpu.memory_space<vmem>>, vector<1x64x256xf32>
    %get3A_3 = vector.shape_cast %get3A_2 : vector<1x64x256xf32> to vector<64x256xf32>
    %get3A_4 = arith.constant 0 : index
    %get3A_5 = arith.constant 0 : index
    %get3A_6 = arith.constant 0 : index
    %get3A_7 = vector.load %arg3[%get3A_4, %get3A_5, %get3A_6] : memref<1x64x2048xf32, #tpu.memory_space<vmem>>, vector<1x64x2048xf32>
    %get3A_8 = vector.shape_cast %get3A_7 : vector<1x64x2048xf32> to vector<64x2048xf32>
    %dot_general3A = arith.constant dense<0.000000e+00> : vector<256x2048xf32>
    %dot_general3A_9 = tpu.matmul %get3A_3, %get3A_8, %dot_general3A {dimension_numbers = #tpu.dot_dimension_numbers<[0], [0], [1], [1], [0, 1, 1, 1], [], []>, transpose_lhs_hint = false} : vector<64x256xf32>, vector<64x2048xf32>, vector<256x2048xf32> -> vector<256x2048xf32>
    %mul3A = arith.mulf %get3A_3, %get3A_3 : vector<64x256xf32>
    %reduce_sum3A = arith.constant dense<0.000000e+00> : vector<256xf32>
    %reduce_sum3A_10 = vector.multi_reduction <add>, %mul3A, %reduce_sum3A [0] : vector<64x256xf32> to vector<256xf32>
    %mul3A_11 = arith.mulf %get3A_8, %get3A_8 : vector<64x2048xf32>
    %reduce_sum3A_12 = arith.constant dense<0.000000e+00> : vector<2048xf32>
    %reduce_sum3A_13 = vector.multi_reduction <add>, %mul3A_11, %reduce_sum3A_12 [0] : vector<64x2048xf32> to vector<2048xf32>
    %mul3A_14 = arith.constant 2.000000e+00 : f32
    %mul3A_15 = vector.broadcast %mul3A_14 : f32 to vector<256x2048xf32>
    %mul3A_16 = arith.mulf %mul3A_15, %dot_general3A_9 : vector<256x2048xf32>
    %broadcast_in_dim3A = vector.shape_cast %reduce_sum3A_10 : vector<256xf32> to vector<256x1xf32>
    %sub3A = vector.broadcast %broadcast_in_dim3A : vector<256x1xf32> to vector<256x2048xf32>
    %sub3A_17 = arith.subf %mul3A_16, %sub3A : vector<256x2048xf32>
    %broadcast_in_dim3A_18 = vector.shape_cast %reduce_sum3A_13 : vector<2048xf32> to vector<1x2048xf32>
    %sub3A_19 = vector.broadcast %broadcast_in_dim3A_18 : vector<1x2048xf32> to vector<256x2048xf32>
    %sub3A_20 = arith.subf %sub3A_17, %sub3A_19 : vector<256x2048xf32>
    %get3A_21 = arith.constant 0 : index
    %get3A_22 = arith.constant 0 : index
    %get3A_23 = arith.constant 0 : index
    %get3A_24 = vector.load %arg4[%get3A_21, %get3A_22, %get3A_23] : memref<1x1x256xi32, #tpu.memory_space<vmem>>, vector<1x1x256xi32>
    %get3A_25 = vector.shape_cast %get3A_24 : vector<1x1x256xi32> to vector<256xi32>
    %broadcast_in_dim3A_26 = vector.shape_cast %get3A_25 : vector<256xi32> to vector<256x1xi32>
    %get3A_27 = arith.constant 0 : index
    %get3A_28 = arith.constant 0 : index
    %get3A_29 = arith.constant 0 : index
    %get3A_30 = vector.load %arg5[%get3A_27, %get3A_28, %get3A_29] : memref<1x1x2048xi32, #tpu.memory_space<vmem>>, vector<1x1x2048xi32>
    %get3A_31 = vector.shape_cast %get3A_30 : vector<1x1x2048xi32> to vector<2048xi32>
    %broadcast_in_dim3A_32 = vector.shape_cast %get3A_31 : vector<2048xi32> to vector<1x2048xi32>
    %eq3A = vector.broadcast %broadcast_in_dim3A_26 : vector<256x1xi32> to vector<256x2048xi32>
    %eq3A_33 = vector.broadcast %broadcast_in_dim3A_32 : vector<1x2048xi32> to vector<256x2048xi32>
    %eq3A_34 = arith.cmpi eq, %eq3A, %eq3A_33 : vector<256x2048xi32>
    %jit3A = arith.constant 0xFF800000 : f32
    %broadcast_in_dim3A_35 = vector.broadcast %jit3A : f32 to vector<256x2048xf32>
    %select_n3A = arith.select %eq3A_34, %sub3A_20, %broadcast_in_dim3A_35 : vector<256x2048xi1>, vector<256x2048xf32>
    %iota3A = tpu.iota {dimensions = array<i32: 1>} : vector<256x2048xi32>
    %argmax3A = tpu.reduce_index %select_n3A {axis = 1 : i32, kind = #tpu.reduction_kind<arg_max>} : vector<256x2048xf32> -> vector<256xi32>
    %swap3A = arith.constant 0 : index
    %swap3A_36 = arith.constant 0 : index
    %swap3A_37 = arith.constant 0 : index
    %swap3A_38 = vector.load %arg6[%swap3A, %swap3A_36, %swap3A_37] : memref<1x32x256xi32, #tpu.memory_space<vmem>>, vector<1x1x256xi32>
    %swap3A_39 = vector.shape_cast %swap3A_38 : vector<1x1x256xi32> to vector<256xi32>
    %swap3A_40 = vector.shape_cast %argmax3A : vector<256xi32> to vector<1x1x256xi32>
    tpu.vector_store %arg6[%swap3A, %swap3A_36, %swap3A_37], %swap3A_40 {strides = array<i32>} : memref<1x32x256xi32, #tpu.memory_space<vmem>>, vector<1x1x256xi32>,
    %broadcast_in_dim3A_41 = vector.shape_cast %argmax3A : vector<256xi32> to vector<256x1xi32>
    %eq3A_42 = vector.broadcast %broadcast_in_dim3A_41 : vector<256x1xi32> to vector<256x2048xi32>
    %eq3A_43 = arith.cmpi eq, %iota3A, %eq3A_42 : vector<256x2048xi32>
    %jit3A_44 = arith.constant 0xFF800000 : f32
    %broadcast_in_dim3A_45 = vector.broadcast %jit3A_44 : f32 to vector<256x2048xf32>
    %select_n3A_46 = arith.select %eq3A_43, %broadcast_in_dim3A_45, %select_n3A : vector<256x2048xi1>, vector<256x2048xf32>
    %argmax3A_47 = tpu.reduce_index %select_n3A_46 {axis = 1 : i32, kind = #tpu.reduction_kind<arg_max>} : vector<256x2048xf32> -> vector<256xi32>
    %swap3A_48 = arith.constant 0 : index
    %swap3A_49 = arith.constant 1 : index
    %swap3A_50 = arith.constant 0 : index
    %swap3A_51 = vector.load %arg6[%swap3A_48, %swap3A_49, %swap3A_50] : memref<1x32x256xi32, #tpu.memory_space<vmem>>, vector<1x1x256xi32>
    %swap3A_52 = vector.shape_cast %swap3A_51 : vector<1x1x256xi32> to vector<256xi32>
    %swap3A_53 = vector.shape_cast %argmax3A_47 : vector<256xi32> to vector<1x1x256xi32>
    tpu.vector_store %arg6[%swap3A_48, %swap3A_49, %swap3A_50], %swap3A_53 {strides = array<i32>} : memref<1x32x256xi32, #tpu.memory_space<vmem>>, vector<1x1x256xi32>,
    %broadcast_in_dim3A_54 = vector.shape_cast %argmax3A_47 : vector<256xi32> to vector<256x1xi32>
    %eq3A_55 = vector.broadcast %broadcast_in_dim3A_54 : vector<256x1xi32> to vector<256x2048xi32>
    %eq3A_56 = arith.cmpi eq, %iota3A, %eq3A_55 : vector<256x2048xi32>
    %jit3A_57 = arith.constant 0xFF800000 : f32
    %broadcast_in_dim3A_58 = vector.broadcast %jit3A_57 : f32 to vector<256x2048xf32>
    %select_n3A_59 = arith.select %eq3A_56, %broadcast_in_dim3A_58, %select_n3A_46 : vector<256x2048xi1>, vector<256x2048xf32>
    %argmax3A_60 = tpu.reduce_index %select_n3A_59 {axis = 1 : i32, kind = #tpu.reduction_kind<arg_max>} : vector<256x2048xf32> -> vector<256xi32>
    %swap3A_61 = arith.constant 0 : index
    %swap3A_62 = arith.constant 2 : index
    %swap3A_63 = arith.constant 0 : index
    %swap3A_64 = vector.load %arg6[%swap3A_61, %swap3A_62, %swap3A_63] : memref<1x32x256xi32, #tpu.memory_space<vmem>>, vector<1x1x256xi32>
    %swap3A_65 = vector.shape_cast %swap3A_64 : vector<1x1x256xi32> to vector<256xi32>
    %swap3A_66 = vector.shape_cast %argmax3A_60 : vector<256xi32> to vector<1x1x256xi32>
    tpu.vector_store %arg6[%swap3A_61, %swap3A_62, %swap3A_63], %swap3A_66 {strides = array<i32>} : memref<1x32x256xi32, #tpu.memory_space<vmem>>, vector<1x1x256xi32>,
    %broadcast_in_dim3A_67 = vector.shape_cast %argmax3A_60 : vector<256xi32> to vector<256x1xi32>
    %eq3A_68 = vector.broadcast %broadcast_in_dim3A_67 : vector<256x1xi32> to vector<256x2048xi32>
    %eq3A_69 = arith.cmpi eq, %iota3A, %eq3A_68 : vector<256x2048xi32>
    %jit3A_70 = arith.constant 0xFF800000 : f32
    %broadcast_in_dim3A_71 = vector.broadcast %jit3A_70 : f32 to vector<256x2048xf32>
    %select_n3A_72 = arith.select %eq3A_69, %broadcast_in_dim3A_71, %select_n3A_59 : vector<256x2048xi1>, vector<256x2048xf32>
    %argmax3A_73 = tpu.reduce_index %select_n3A_72 {axis = 1 : i32, kind = #tpu.reduction_kind<arg_max>} : vector<256x2048xf32> -> vector<256xi32>
    %swap3A_74 = arith.constant 0 : index
    %swap3A_75 = arith.constant 3 : index
    %swap3A_76 = arith.constant 0 : index
    %swap3A_77 = vector.load %arg6[%swap3A_74, %swap3A_75, %swap3A_76] : memref<1x32x256xi32, #tpu.memory_space<vmem>>, vector<1x1x256xi32>
    %swap3A_78 = vector.shape_cast %swap3A_77 : vector<1x1x256xi32> to vector<256xi32>
    %swap3A_79 = vector.shape_cast %argmax3A_73 : vector<256xi32> to vector<1x1x256xi32>
    tpu.vector_store %arg6[%swap3A_74, %swap3A_75, %swap3A_76], %swap3A_79 {strides = array<i32>} : memref<1x32x256xi32, #tpu.memory_space<vmem>>, vector<1x1x256xi32>,
    %broadcast_in_dim3A_80 = vector.shape_cast %argmax3A_73 : vector<256xi32> to vector<256x1xi32>
    %eq3A_81 = vector.broadcast %broadcast_in_dim3A_80 : vector<256x1xi32> to vector<256x2048xi32>
    %eq3A_82 = arith.cmpi eq, %iota3A, %eq3A_81 : vector<256x2048xi32>
    %jit3A_83 = arith.constant 0xFF800000 : f32
    %broadcast_in_dim3A_84 = vector.broadcast %jit3A_83 : f32 to vector<256x2048xf32>
    %select_n3A_85 = arith.select %eq3A_82, %broadcast_in_dim3A_84, %select_n3A_72 : vector<256x2048xi1>, vector<256x2048xf32>
    %argmax3A_86 = tpu.reduce_index %select_n3A_85 {axis = 1 : i32, kind = #tpu.reduction_kind<arg_max>} : vector<256x2048xf32> -> vector<256xi32>
    %swap3A_87 = arith.constant 0 : index
    %swap3A_88 = arith.constant 4 : index
    %swap3A_89 = arith.constant 0 : index
    %swap3A_90 = vector.load %arg6[%swap3A_87, %swap3A_88, %swap3A_89] : memref<1x32x256xi32, #tpu.memory_space<vmem>>, vector<1x1x256xi32>
    %swap3A_91 = vector.shape_cast %swap3A_90 : vector<1x1x256xi32> to vector<256xi32>
    %swap3A_92 = vector.shape_cast %argmax3A_86 : vector<256xi32> to vector<1x1x256xi32>
    tpu.vector_store %arg6[%swap3A_87, %swap3A_88, %swap3A_89], %swap3A_92 {strides = array<i32>} : memref<1x32x256xi32, #tpu.memory_space<vmem>>, vector<1x1x256xi32>,
    %broadcast_in_dim3A_93 = vector.shape_cast %argmax3A_86 : vector<256xi32> to vector<256x1xi32>
    %eq3A_94 = vector.broadcast %broadcast_in_dim3A_93 : vector<256x1xi32> to vector<256x2048xi32>
    %eq3A_95 = arith.cmpi eq, %iota3A, %eq3A_94 : vector<256x2048xi32>
    %jit3A_96 = arith.constant 0xFF800000 : f32
    %broadcast_in_dim3A_97 = vector.broadcast %jit3A_96 : f32 to vector<256x2048xf32>
    %select_n3A_98 = arith.select %eq3A_95, %broadcast_in_dim3A_97, %select_n3A_85 : vector<256x2048xi1>, vector<256x2048xf32>
    %argmax3A_99 = tpu.reduce_index %select_n3A_98 {axis = 1 : i32, kind = #tpu.reduction_kind<arg_max>} : vector<256x2048xf32> -> vector<256xi32>
    %swap3A_100 = arith.constant 0 : index
    %swap3A_101 = arith.constant 5 : index
    %swap3A_102 = arith.constant 0 : index
    %swap3A_103 = vector.load %arg6[%swap3A_100, %swap3A_101, %swap3A_102] : memref<1x32x256xi32, #tpu.memory_space<vmem>>, vector<1x1x256xi32>
    %swap3A_104 = vector.shape_cast %swap3A_103 : vector<1x1x256xi32> to vector<256xi32>
    %swap3A_105 = vector.shape_cast %argmax3A_99 : vector<256xi32> to vector<1x1x256xi32>
    tpu.vector_store %arg6[%swap3A_100, %swap3A_101, %swap3A_102], %swap3A_105 {strides = array<i32>} : memref<1x32x256xi32, #tpu.memory_space<vmem>>, vector<1x1x256xi32>,
    %broadcast_in_dim3A_106 = vector.shape_cast %argmax3A_99 : vector<256xi32> to vector<256x1xi32>
    %eq3A_107 = vector.broadcast %broadcast_in_dim3A_106 : vector<256x1xi32> to vector<256x2048xi32>
    %eq3A_108 = arith.cmpi eq, %iota3A, %eq3A_107 : vector<256x2048xi32>
    %jit3A_109 = arith.constant 0xFF800000 : f32
    %broadcast_in_dim3A_110 = vector.broadcast %jit3A_109 : f32 to vector<256x2048xf32>
    %select_n3A_111 = arith.select %eq3A_108, %broadcast_in_dim3A_110, %select_n3A_98 : vector<256x2048xi1>, vector<256x2048xf32>
    %argmax3A_112 = tpu.reduce_index %select_n3A_111 {axis = 1 : i32, kind = #tpu.reduction_kind<arg_max>} : vector<256x2048xf32> -> vector<256xi32>
    %swap3A_113 = arith.constant 0 : index
    %swap3A_114 = arith.constant 6 : index
    %swap3A_115 = arith.constant 0 : index
    %swap3A_116 = vector.load %arg6[%swap3A_113, %swap3A_114, %swap3A_115] : memref<1x32x256xi32, #tpu.memory_space<vmem>>, vector<1x1x256xi32>
    %swap3A_117 = vector.shape_cast %swap3A_116 : vector<1x1x256xi32> to vector<256xi32>
    %swap3A_118 = vector.shape_cast %argmax3A_112 : vector<256xi32> to vector<1x1x256xi32>
    tpu.vector_store %arg6[%swap3A_113, %swap3A_114, %swap3A_115], %swap3A_118 {strides = array<i32>} : memref<1x32x256xi32, #tpu.memory_space<vmem>>, vector<1x1x256xi32>,
    %broadcast_in_dim3A_119 = vector.shape_cast %argmax3A_112 : vector<256xi32> to vector<256x1xi32>
    %eq3A_120 = vector.broadcast %broadcast_in_dim3A_119 : vector<256x1xi32> to vector<256x2048xi32>
    %eq3A_121 = arith.cmpi eq, %iota3A, %eq3A_120 : vector<256x2048xi32>
    %jit3A_122 = arith.constant 0xFF800000 : f32
    %broadcast_in_dim3A_123 = vector.broadcast %jit3A_122 : f32 to vector<256x2048xf32>
    %select_n3A_124 = arith.select %eq3A_121, %broadcast_in_dim3A_123, %select_n3A_111 : vector<256x2048xi1>, vector<256x2048xf32>
    %argmax3A_125 = tpu.reduce_index %select_n3A_124 {axis = 1 : i32, kind = #tpu.reduction_kind<arg_max>} : vector<256x2048xf32> -> vector<256xi32>
    %swap3A_126 = arith.constant 0 : index
    %swap3A_127 = arith.constant 7 : index
    %swap3A_128 = arith.constant 0 : index
    %swap3A_129 = vector.load %arg6[%swap3A_126, %swap3A_127, %swap3A_128] : memref<1x32x256xi32, #tpu.memory_space<vmem>>, vector<1x1x256xi32>
    %swap3A_130 = vector.shape_cast %swap3A_129 : vector<1x1x256xi32> to vector<256xi32>
    %swap3A_131 = vector.shape_cast %argmax3A_125 : vector<256xi32> to vector<1x1x256xi32>
    tpu.vector_store %arg6[%swap3A_126, %swap3A_127, %swap3A_128], %swap3A_131 {strides = array<i32>} : memref<1x32x256xi32, #tpu.memory_space<vmem>>, vector<1x1x256xi32>,
    %broadcast_in_dim3A_132 = vector.shape_cast %argmax3A_125 : vector<256xi32> to vector<256x1xi32>
    %eq3A_133 = vector.broadcast %broadcast_in_dim3A_132 : vector<256x1xi32> to vector<256x2048xi32>
    %eq3A_134 = arith.cmpi eq, %iota3A, %eq3A_133 : vector<256x2048xi32>
    %jit3A_135 = arith.constant 0xFF800000 : f32
    %broadcast_in_dim3A_136 = vector.broadcast %jit3A_135 : f32 to vector<256x2048xf32>
    %select_n3A_137 = arith.select %eq3A_134, %broadcast_in_dim3A_136, %select_n3A_124 : vector<256x2048xi1>, vector<256x2048xf32>
    %argmax3A_138 = tpu.reduce_index %select_n3A_137 {axis = 1 : i32, kind = #tpu.reduction_kind<arg_max>} : vector<256x2048xf32> -> vector<256xi32>
    %swap3A_139 = arith.constant 0 : index
    %swap3A_140 = arith.constant 8 : index
    %swap3A_141 = arith.constant 0 : index
    %swap3A_142 = vector.load %arg6[%swap3A_139, %swap3A_140, %swap3A_141] : memref<1x32x256xi32, #tpu.memory_space<vmem>>, vector<1x1x256xi32>
    %swap3A_143 = vector.shape_cast %swap3A_142 : vector<1x1x256xi32> to vector<256xi32>
    %swap3A_144 = vector.shape_cast %argmax3A_138 : vector<256xi32> to vector<1x1x256xi32>
    tpu.vector_store %arg6[%swap3A_139, %swap3A_140, %swap3A_141], %swap3A_144 {strides = array<i32>} : memref<1x32x256xi32, #tpu.memory_space<vmem>>, vector<1x1x256xi32>,
    %broadcast_in_dim3A_145 = vector.shape_cast %argmax3A_138 : vector<256xi32> to vector<256x1xi32>
    %eq3A_146 = vector.broadcast %broadcast_in_dim3A_145 : vector<256x1xi32> to vector<256x2048xi32>
    %eq3A_147 = arith.cmpi eq, %iota3A, %eq3A_146 : vector<256x2048xi32>
    %jit3A_148 = arith.constant 0xFF800000 : f32
    %broadcast_in_dim3A_149 = vector.broadcast %jit3A_148 : f32 to vector<256x2048xf32>
    %select_n3A_150 = arith.select %eq3A_147, %broadcast_in_dim3A_149, %select_n3A_137 : vector<256x2048xi1>, vector<256x2048xf32>
    %argmax3A_151 = tpu.reduce_index %select_n3A_150 {axis = 1 : i32, kind = #tpu.reduction_kind<arg_max>} : vector<256x2048xf32> -> vector<256xi32>
    %swap3A_152 = arith.constant 0 : index
    %swap3A_153 = arith.constant 9 : index
    %swap3A_154 = arith.constant 0 : index
    %swap3A_155 = vector.load %arg6[%swap3A_152, %swap3A_153, %swap3A_154] : memref<1x32x256xi32, #tpu.memory_space<vmem>>, vector<1x1x256xi32>
    %swap3A_156 = vector.shape_cast %swap3A_155 : vector<1x1x256xi32> to vector<256xi32>
    %swap3A_157 = vector.shape_cast %argmax3A_151 : vector<256xi32> to vector<1x1x256xi32>
    tpu.vector_store %arg6[%swap3A_152, %swap3A_153, %swap3A_154], %swap3A_157 {strides = array<i32>} : memref<1x32x256xi32, #tpu.memory_space<vmem>>, vector<1x1x256xi32>,
    %broadcast_in_dim3A_158 = vector.shape_cast %argmax3A_151 : vector<256xi32> to vector<256x1xi32>
    %eq3A_159 = vector.broadcast %broadcast_in_dim3A_158 : vector<256x1xi32> to vector<256x2048xi32>
    %eq3A_160 = arith.cmpi eq, %iota3A, %eq3A_159 : vector<256x2048xi32>
    %jit3A_161 = arith.constant 0xFF800000 : f32
    %broadcast_in_dim3A_162 = vector.broadcast %jit3A_161 : f32 to vector<256x2048xf32>
    %select_n3A_163 = arith.select %eq3A_160, %broadcast_in_dim3A_162, %select_n3A_150 : vector<256x2048xi1>, vector<256x2048xf32>
    %argmax3A_164 = tpu.reduce_index %select_n3A_163 {axis = 1 : i32, kind = #tpu.reduction_kind<arg_max>} : vector<256x2048xf32> -> vector<256xi32>
    %swap3A_165 = arith.constant 0 : index
    %swap3A_166 = arith.constant 10 : index
    %swap3A_167 = arith.constant 0 : index
    %swap3A_168 = vector.load %arg6[%swap3A_165, %swap3A_166, %swap3A_167] : memref<1x32x256xi32, #tpu.memory_space<vmem>>, vector<1x1x256xi32>
    %swap3A_169 = vector.shape_cast %swap3A_168 : vector<1x1x256xi32> to vector<256xi32>
    %swap3A_170 = vector.shape_cast %argmax3A_164 : vector<256xi32> to vector<1x1x256xi32>
    tpu.vector_store %arg6[%swap3A_165, %swap3A_166, %swap3A_167], %swap3A_170 {strides = array<i32>} : memref<1x32x256xi32, #tpu.memory_space<vmem>>, vector<1x1x256xi32>,
    %broadcast_in_dim3A_171 = vector.shape_cast %argmax3A_164 : vector<256xi32> to vector<256x1xi32>
    %eq3A_172 = vector.broadcast %broadcast_in_dim3A_171 : vector<256x1xi32> to vector<256x2048xi32>
    %eq3A_173 = arith.cmpi eq, %iota3A, %eq3A_172 : vector<256x2048xi32>
    %jit3A_174 = arith.constant 0xFF800000 : f32
    %broadcast_in_dim3A_175 = vector.broadcast %jit3A_174 : f32 to vector<256x2048xf32>
    %select_n3A_176 = arith.select %eq3A_173, %broadcast_in_dim3A_175, %select_n3A_163 : vector<256x2048xi1>, vector<256x2048xf32>
    %argmax3A_177 = tpu.reduce_index %select_n3A_176 {axis = 1 : i32, kind = #tpu.reduction_kind<arg_max>} : vector<256x2048xf32> -> vector<256xi32>
    %swap3A_178 = arith.constant 0 : index
    %swap3A_179 = arith.constant 11 : index
    %swap3A_180 = arith.constant 0 : index
    %swap3A_181 = vector.load %arg6[%swap3A_178, %swap3A_179, %swap3A_180] : memref<1x32x256xi32, #tpu.memory_space<vmem>>, vector<1x1x256xi32>
    %swap3A_182 = vector.shape_cast %swap3A_181 : vector<1x1x256xi32> to vector<256xi32>
    %swap3A_183 = vector.shape_cast %argmax3A_177 : vector<256xi32> to vector<1x1x256xi32>
    tpu.vector_store %arg6[%swap3A_178, %swap3A_179, %swap3A_180], %swap3A_183 {strides = array<i32>} : memref<1x32x256xi32, #tpu.memory_space<vmem>>, vector<1x1x256xi32>,
    %broadcast_in_dim3A_184 = vector.shape_cast %argmax3A_177 : vector<256xi32> to vector<256x1xi32>
    %eq3A_185 = vector.broadcast %broadcast_in_dim3A_184 : vector<256x1xi32> to vector<256x2048xi32>
    %eq3A_186 = arith.cmpi eq, %iota3A, %eq3A_185 : vector<256x2048xi32>
    %jit3A_187 = arith.constant 0xFF800000 : f32
    %broadcast_in_dim3A_188 = vector.broadcast %jit3A_187 : f32 to vector<256x2048xf32>
    %select_n3A_189 = arith.select %eq3A_186, %broadcast_in_dim3A_188, %select_n3A_176 : vector<256x2048xi1>, vector<256x2048xf32>
    %argmax3A_190 = tpu.reduce_index %select_n3A_189 {axis = 1 : i32, kind = #tpu.reduction_kind<arg_max>} : vector<256x2048xf32> -> vector<256xi32>
    %swap3A_191 = arith.constant 0 : index
    %swap3A_192 = arith.constant 12 : index
    %swap3A_193 = arith.constant 0 : index
    %swap3A_194 = vector.load %arg6[%swap3A_191, %swap3A_192, %swap3A_193] : memref<1x32x256xi32, #tpu.memory_space<vmem>>, vector<1x1x256xi32>
    %swap3A_195 = vector.shape_cast %swap3A_194 : vector<1x1x256xi32> to vector<256xi32>
    %swap3A_196 = vector.shape_cast %argmax3A_190 : vector<256xi32> to vector<1x1x256xi32>
    tpu.vector_store %arg6[%swap3A_191, %swap3A_192, %swap3A_193], %swap3A_196 {strides = array<i32>} : memref<1x32x256xi32, #tpu.memory_space<vmem>>, vector<1x1x256xi32>,
    %broadcast_in_dim3A_197 = vector.shape_cast %argmax3A_190 : vector<256xi32> to vector<256x1xi32>
    %eq3A_198 = vector.broadcast %broadcast_in_dim3A_197 : vector<256x1xi32> to vector<256x2048xi32>
    %eq3A_199 = arith.cmpi eq, %iota3A, %eq3A_198 : vector<256x2048xi32>
    %jit3A_200 = arith.constant 0xFF800000 : f32
    %broadcast_in_dim3A_201 = vector.broadcast %jit3A_200 : f32 to vector<256x2048xf32>
    %select_n3A_202 = arith.select %eq3A_199, %broadcast_in_dim3A_201, %select_n3A_189 : vector<256x2048xi1>, vector<256x2048xf32>
    %argmax3A_203 = tpu.reduce_index %select_n3A_202 {axis = 1 : i32, kind = #tpu.reduction_kind<arg_max>} : vector<256x2048xf32> -> vector<256xi32>
    %swap3A_204 = arith.constant 0 : index
    %swap3A_205 = arith.constant 13 : index
    %swap3A_206 = arith.constant 0 : index
    %swap3A_207 = vector.load %arg6[%swap3A_204, %swap3A_205, %swap3A_206] : memref<1x32x256xi32, #tpu.memory_space<vmem>>, vector<1x1x256xi32>
    %swap3A_208 = vector.shape_cast %swap3A_207 : vector<1x1x256xi32> to vector<256xi32>
    %swap3A_209 = vector.shape_cast %argmax3A_203 : vector<256xi32> to vector<1x1x256xi32>
    tpu.vector_store %arg6[%swap3A_204, %swap3A_205, %swap3A_206], %swap3A_209 {strides = array<i32>} : memref<1x32x256xi32, #tpu.memory_space<vmem>>, vector<1x1x256xi32>,
    %broadcast_in_dim3A_210 = vector.shape_cast %argmax3A_203 : vector<256xi32> to vector<256x1xi32>
    %eq3A_211 = vector.broadcast %broadcast_in_dim3A_210 : vector<256x1xi32> to vector<256x2048xi32>
    %eq3A_212 = arith.cmpi eq, %iota3A, %eq3A_211 : vector<256x2048xi32>
    %jit3A_213 = arith.constant 0xFF800000 : f32
    %broadcast_in_dim3A_214 = vector.broadcast %jit3A_213 : f32 to vector<256x2048xf32>
    %select_n3A_215 = arith.select %eq3A_212, %broadcast_in_dim3A_214, %select_n3A_202 : vector<256x2048xi1>, vector<256x2048xf32>
    %argmax3A_216 = tpu.reduce_index %select_n3A_215 {axis = 1 : i32, kind = #tpu.reduction_kind<arg_max>} : vector<256x2048xf32> -> vector<256xi32>
    %swap3A_217 = arith.constant 0 : index
    %swap3A_218 = arith.constant 14 : index
    %swap3A_219 = arith.constant 0 : index
    %swap3A_220 = vector.load %arg6[%swap3A_217, %swap3A_218, %swap3A_219] : memref<1x32x256xi32, #tpu.memory_space<vmem>>, vector<1x1x256xi32>
    %swap3A_221 = vector.shape_cast %swap3A_220 : vector<1x1x256xi32> to vector<256xi32>
    %swap3A_222 = vector.shape_cast %argmax3A_216 : vector<256xi32> to vector<1x1x256xi32>
    tpu.vector_store %arg6[%swap3A_217, %swap3A_218, %swap3A_219], %swap3A_222 {strides = array<i32>} : memref<1x32x256xi32, #tpu.memory_space<vmem>>, vector<1x1x256xi32>,
    %broadcast_in_dim3A_223 = vector.shape_cast %argmax3A_216 : vector<256xi32> to vector<256x1xi32>
    %eq3A_224 = vector.broadcast %broadcast_in_dim3A_223 : vector<256x1xi32> to vector<256x2048xi32>
    %eq3A_225 = arith.cmpi eq, %iota3A, %eq3A_224 : vector<256x2048xi32>
    %jit3A_226 = arith.constant 0xFF800000 : f32
    %broadcast_in_dim3A_227 = vector.broadcast %jit3A_226 : f32 to vector<256x2048xf32>
    %select_n3A_228 = arith.select %eq3A_225, %broadcast_in_dim3A_227, %select_n3A_215 : vector<256x2048xi1>, vector<256x2048xf32>
    %argmax3A_229 = tpu.reduce_index %select_n3A_228 {axis = 1 : i32, kind = #tpu.reduction_kind<arg_max>} : vector<256x2048xf32> -> vector<256xi32>
    %swap3A_230 = arith.constant 0 : index
    %swap3A_231 = arith.constant 15 : index
    %swap3A_232 = arith.constant 0 : index
    %swap3A_233 = vector.load %arg6[%swap3A_230, %swap3A_231, %swap3A_232] : memref<1x32x256xi32, #tpu.memory_space<vmem>>, vector<1x1x256xi32>
    %swap3A_234 = vector.shape_cast %swap3A_233 : vector<1x1x256xi32> to vector<256xi32>
    %swap3A_235 = vector.shape_cast %argmax3A_229 : vector<256xi32> to vector<1x1x256xi32>
    tpu.vector_store %arg6[%swap3A_230, %swap3A_231, %swap3A_232], %swap3A_235 {strides = array<i32>} : memref<1x32x256xi32, #tpu.memory_space<vmem>>, vector<1x1x256xi32>,
    %broadcast_in_dim3A_236 = vector.shape_cast %argmax3A_229 : vector<256xi32> to vector<256x1xi32>
    %eq3A_237 = vector.broadcast %broadcast_in_dim3A_236 : vector<256x1xi32> to vector<256x2048xi32>
    %eq3A_238 = arith.cmpi eq, %iota3A, %eq3A_237 : vector<256x2048xi32>
    %jit3A_239 = arith.constant 0xFF800000 : f32
    %broadcast_in_dim3A_240 = vector.broadcast %jit3A_239 : f32 to vector<256x2048xf32>
    %select_n3A_241 = arith.select %eq3A_238, %broadcast_in_dim3A_240, %select_n3A_228 : vector<256x2048xi1>, vector<256x2048xf32>
    %argmax3A_242 = tpu.reduce_index %select_n3A_241 {axis = 1 : i32, kind = #tpu.reduction_kind<arg_max>} : vector<256x2048xf32> -> vector<256xi32>
    %swap3A_243 = arith.constant 0 : index
    %swap3A_244 = arith.constant 16 : index
    %swap3A_245 = arith.constant 0 : index
    %swap3A_246 = vector.load %arg6[%swap3A_243, %swap3A_244, %swap3A_245] : memref<1x32x256xi32, #tpu.memory_space<vmem>>, vector<1x1x256xi32>
    %swap3A_247 = vector.shape_cast %swap3A_246 : vector<1x1x256xi32> to vector<256xi32>
    %swap3A_248 = vector.shape_cast %argmax3A_242 : vector<256xi32> to vector<1x1x256xi32>
    tpu.vector_store %arg6[%swap3A_243, %swap3A_244, %swap3A_245], %swap3A_248 {strides = array<i32>} : memref<1x32x256xi32, #tpu.memory_space<vmem>>, vector<1x1x256xi32>,
    %broadcast_in_dim3A_249 = vector.shape_cast %argmax3A_242 : vector<256xi32> to vector<256x1xi32>
    %eq3A_250 = vector.broadcast %broadcast_in_dim3A_249 : vector<256x1xi32> to vector<256x2048xi32>
    %eq3A_251 = arith.cmpi eq, %iota3A, %eq3A_250 : vector<256x2048xi32>
    %jit3A_252 = arith.constant 0xFF800000 : f32
    %broadcast_in_dim3A_253 = vector.broadcast %jit3A_252 : f32 to vector<256x2048xf32>
    %select_n3A_254 = arith.select %eq3A_251, %broadcast_in_dim3A_253, %select_n3A_241 : vector<256x2048xi1>, vector<256x2048xf32>
    %argmax3A_255 = tpu.reduce_index %select_n3A_254 {axis = 1 : i32, kind = #tpu.reduction_kind<arg_max>} : vector<256x2048xf32> -> vector<256xi32>
    %swap3A_256 = arith.constant 0 : index
    %swap3A_257 = arith.constant 17 : index
    %swap3A_258 = arith.constant 0 : index
    %swap3A_259 = vector.load %arg6[%swap3A_256, %swap3A_257, %swap3A_258] : memref<1x32x256xi32, #tpu.memory_space<vmem>>, vector<1x1x256xi32>
    %swap3A_260 = vector.shape_cast %swap3A_259 : vector<1x1x256xi32> to vector<256xi32>
    %swap3A_261 = vector.shape_cast %argmax3A_255 : vector<256xi32> to vector<1x1x256xi32>
    tpu.vector_store %arg6[%swap3A_256, %swap3A_257, %swap3A_258], %swap3A_261 {strides = array<i32>} : memref<1x32x256xi32, #tpu.memory_space<vmem>>, vector<1x1x256xi32>,
    %broadcast_in_dim3A_262 = vector.shape_cast %argmax3A_255 : vector<256xi32> to vector<256x1xi32>
    %eq3A_263 = vector.broadcast %broadcast_in_dim3A_262 : vector<256x1xi32> to vector<256x2048xi32>
    %eq3A_264 = arith.cmpi eq, %iota3A, %eq3A_263 : vector<256x2048xi32>
    %jit3A_265 = arith.constant 0xFF800000 : f32
    %broadcast_in_dim3A_266 = vector.broadcast %jit3A_265 : f32 to vector<256x2048xf32>
    %select_n3A_267 = arith.select %eq3A_264, %broadcast_in_dim3A_266, %select_n3A_254 : vector<256x2048xi1>, vector<256x2048xf32>
    %argmax3A_268 = tpu.reduce_index %select_n3A_267 {axis = 1 : i32, kind = #tpu.reduction_kind<arg_max>} : vector<256x2048xf32> -> vector<256xi32>
    %swap3A_269 = arith.constant 0 : index
    %swap3A_270 = arith.constant 18 : index
    %swap3A_271 = arith.constant 0 : index
    %swap3A_272 = vector.load %arg6[%swap3A_269, %swap3A_270, %swap3A_271] : memref<1x32x256xi32, #tpu.memory_space<vmem>>, vector<1x1x256xi32>
    %swap3A_273 = vector.shape_cast %swap3A_272 : vector<1x1x256xi32> to vector<256xi32>
    %swap3A_274 = vector.shape_cast %argmax3A_268 : vector<256xi32> to vector<1x1x256xi32>
    tpu.vector_store %arg6[%swap3A_269, %swap3A_270, %swap3A_271], %swap3A_274 {strides = array<i32>} : memref<1x32x256xi32, #tpu.memory_space<vmem>>, vector<1x1x256xi32>,
    %broadcast_in_dim3A_275 = vector.shape_cast %argmax3A_268 : vector<256xi32> to vector<256x1xi32>
    %eq3A_276 = vector.broadcast %broadcast_in_dim3A_275 : vector<256x1xi32> to vector<256x2048xi32>
    %eq3A_277 = arith.cmpi eq, %iota3A, %eq3A_276 : vector<256x2048xi32>
    %jit3A_278 = arith.constant 0xFF800000 : f32
    %broadcast_in_dim3A_279 = vector.broadcast %jit3A_278 : f32 to vector<256x2048xf32>
    %select_n3A_280 = arith.select %eq3A_277, %broadcast_in_dim3A_279, %select_n3A_267 : vector<256x2048xi1>, vector<256x2048xf32>
    %argmax3A_281 = tpu.reduce_index %select_n3A_280 {axis = 1 : i32, kind = #tpu.reduction_kind<arg_max>} : vector<256x2048xf32> -> vector<256xi32>
    %swap3A_282 = arith.constant 0 : index
    %swap3A_283 = arith.constant 19 : index
    %swap3A_284 = arith.constant 0 : index
    %swap3A_285 = vector.load %arg6[%swap3A_282, %swap3A_283, %swap3A_284] : memref<1x32x256xi32, #tpu.memory_space<vmem>>, vector<1x1x256xi32>
    %swap3A_286 = vector.shape_cast %swap3A_285 : vector<1x1x256xi32> to vector<256xi32>
    %swap3A_287 = vector.shape_cast %argmax3A_281 : vector<256xi32> to vector<1x1x256xi32>
    tpu.vector_store %arg6[%swap3A_282, %swap3A_283, %swap3A_284], %swap3A_287 {strides = array<i32>} : memref<1x32x256xi32, #tpu.memory_space<vmem>>, vector<1x1x256xi32>,
    %broadcast_in_dim3A_288 = arith.constant 0 : i32
    %broadcast_in_dim3A_289 = vector.broadcast %broadcast_in_dim3A_288 : i32 to vector<256xi32>
    %swap3A_290 = arith.constant 0 : index
    %swap3A_291 = arith.constant 20 : index
    %swap3A_292 = arith.constant 0 : index
    %swap3A_293 = vector.load %arg6[%swap3A_290, %swap3A_291, %swap3A_292] : memref<1x32x256xi32, #tpu.memory_space<vmem>>, vector<1x1x256xi32>
    %swap3A_294 = vector.shape_cast %swap3A_293 : vector<1x1x256xi32> to vector<256xi32>
    %swap3A_295 = vector.shape_cast %broadcast_in_dim3A_289 : vector<256xi32> to vector<1x1x256xi32>
    tpu.vector_store %arg6[%swap3A_290, %swap3A_291, %swap3A_292], %swap3A_295 {strides = array<i32>} : memref<1x32x256xi32, #tpu.memory_space<vmem>>, vector<1x1x256xi32>,
    %broadcast_in_dim3A_296 = arith.constant 0 : i32
    %broadcast_in_dim3A_297 = vector.broadcast %broadcast_in_dim3A_296 : i32 to vector<256xi32>
    %swap3A_298 = arith.constant 0 : index
    %swap3A_299 = arith.constant 21 : index
    %swap3A_300 = arith.constant 0 : index
    %swap3A_301 = vector.load %arg6[%swap3A_298, %swap3A_299, %swap3A_300] : memref<1x32x256xi32, #tpu.memory_space<vmem>>, vector<1x1x256xi32>
    %swap3A_302 = vector.shape_cast %swap3A_301 : vector<1x1x256xi32> to vector<256xi32>
    %swap3A_303 = vector.shape_cast %broadcast_in_dim3A_297 : vector<256xi32> to vector<1x1x256xi32>
    tpu.vector_store %arg6[%swap3A_298, %swap3A_299, %swap3A_300], %swap3A_303 {strides = array<i32>} : memref<1x32x256xi32, #tpu.memory_space<vmem>>, vector<1x1x256xi32>,
    %broadcast_in_dim3A_304 = arith.constant 0 : i32
    %broadcast_in_dim3A_305 = vector.broadcast %broadcast_in_dim3A_304 : i32 to vector<256xi32>
    %swap3A_306 = arith.constant 0 : index
    %swap3A_307 = arith.constant 22 : index
    %swap3A_308 = arith.constant 0 : index
    %swap3A_309 = vector.load %arg6[%swap3A_306, %swap3A_307, %swap3A_308] : memref<1x32x256xi32, #tpu.memory_space<vmem>>, vector<1x1x256xi32>
    %swap3A_310 = vector.shape_cast %swap3A_309 : vector<1x1x256xi32> to vector<256xi32>
    %swap3A_311 = vector.shape_cast %broadcast_in_dim3A_305 : vector<256xi32> to vector<1x1x256xi32>
    tpu.vector_store %arg6[%swap3A_306, %swap3A_307, %swap3A_308], %swap3A_311 {strides = array<i32>} : memref<1x32x256xi32, #tpu.memory_space<vmem>>, vector<1x1x256xi32>,
    %broadcast_in_dim3A_312 = arith.constant 0 : i32
    %broadcast_in_dim3A_313 = vector.broadcast %broadcast_in_dim3A_312 : i32 to vector<256xi32>
    %swap3A_314 = arith.constant 0 : index
    %swap3A_315 = arith.constant 23 : index
    %swap3A_316 = arith.constant 0 : index
    %swap3A_317 = vector.load %arg6[%swap3A_314, %swap3A_315, %swap3A_316] : memref<1x32x256xi32, #tpu.memory_space<vmem>>, vector<1x1x256xi32>
    %swap3A_318 = vector.shape_cast %swap3A_317 : vector<1x1x256xi32> to vector<256xi32>
    %swap3A_319 = vector.shape_cast %broadcast_in_dim3A_313 : vector<256xi32> to vector<1x1x256xi32>
    tpu.vector_store %arg6[%swap3A_314, %swap3A_315, %swap3A_316], %swap3A_319 {strides = array<i32>} : memref<1x32x256xi32, #tpu.memory_space<vmem>>, vector<1x1x256xi32>,
    %broadcast_in_dim3A_320 = arith.constant 0 : i32
    %broadcast_in_dim3A_321 = vector.broadcast %broadcast_in_dim3A_320 : i32 to vector<256xi32>
    %swap3A_322 = arith.constant 0 : index
    %swap3A_323 = arith.constant 24 : index
    %swap3A_324 = arith.constant 0 : index
    %swap3A_325 = vector.load %arg6[%swap3A_322, %swap3A_323, %swap3A_324] : memref<1x32x256xi32, #tpu.memory_space<vmem>>, vector<1x1x256xi32>
    %swap3A_326 = vector.shape_cast %swap3A_325 : vector<1x1x256xi32> to vector<256xi32>
    %swap3A_327 = vector.shape_cast %broadcast_in_dim3A_321 : vector<256xi32> to vector<1x1x256xi32>
    tpu.vector_store %arg6[%swap3A_322, %swap3A_323, %swap3A_324], %swap3A_327 {strides = array<i32>} : memref<1x32x256xi32, #tpu.memory_space<vmem>>, vector<1x1x256xi32>,
    %broadcast_in_dim3A_328 = arith.constant 0 : i32
    %broadcast_in_dim3A_329 = vector.broadcast %broadcast_in_dim3A_328 : i32 to vector<256xi32>
    %swap3A_330 = arith.constant 0 : index
    %swap3A_331 = arith.constant 25 : index
    %swap3A_332 = arith.constant 0 : index
    %swap3A_333 = vector.load %arg6[%swap3A_330, %swap3A_331, %swap3A_332] : memref<1x32x256xi32, #tpu.memory_space<vmem>>, vector<1x1x256xi32>
    %swap3A_334 = vector.shape_cast %swap3A_333 : vector<1x1x256xi32> to vector<256xi32>
    %swap3A_335 = vector.shape_cast %broadcast_in_dim3A_329 : vector<256xi32> to vector<1x1x256xi32>
    tpu.vector_store %arg6[%swap3A_330, %swap3A_331, %swap3A_332], %swap3A_335 {strides = array<i32>} : memref<1x32x256xi32, #tpu.memory_space<vmem>>, vector<1x1x256xi32>,
    %broadcast_in_dim3A_336 = arith.constant 0 : i32
    %broadcast_in_dim3A_337 = vector.broadcast %broadcast_in_dim3A_336 : i32 to vector<256xi32>
    %swap3A_338 = arith.constant 0 : index
    %swap3A_339 = arith.constant 26 : index
    %swap3A_340 = arith.constant 0 : index
    %swap3A_341 = vector.load %arg6[%swap3A_338, %swap3A_339, %swap3A_340] : memref<1x32x256xi32, #tpu.memory_space<vmem>>, vector<1x1x256xi32>
    %swap3A_342 = vector.shape_cast %swap3A_341 : vector<1x1x256xi32> to vector<256xi32>
    %swap3A_343 = vector.shape_cast %broadcast_in_dim3A_337 : vector<256xi32> to vector<1x1x256xi32>
    tpu.vector_store %arg6[%swap3A_338, %swap3A_339, %swap3A_340], %swap3A_343 {strides = array<i32>} : memref<1x32x256xi32, #tpu.memory_space<vmem>>, vector<1x1x256xi32>,
    %broadcast_in_dim3A_344 = arith.constant 0 : i32
    %broadcast_in_dim3A_345 = vector.broadcast %broadcast_in_dim3A_344 : i32 to vector<256xi32>
    %swap3A_346 = arith.constant 0 : index
    %swap3A_347 = arith.constant 27 : index
    %swap3A_348 = arith.constant 0 : index
    %swap3A_349 = vector.load %arg6[%swap3A_346, %swap3A_347, %swap3A_348] : memref<1x32x256xi32, #tpu.memory_space<vmem>>, vector<1x1x256xi32>
    %swap3A_350 = vector.shape_cast %swap3A_349 : vector<1x1x256xi32> to vector<256xi32>
    %swap3A_351 = vector.shape_cast %broadcast_in_dim3A_345 : vector<256xi32> to vector<1x1x256xi32>
    tpu.vector_store %arg6[%swap3A_346, %swap3A_347, %swap3A_348], %swap3A_351 {strides = array<i32>} : memref<1x32x256xi32, #tpu.memory_space<vmem>>, vector<1x1x256xi32>,
    %broadcast_in_dim3A_352 = arith.constant 0 : i32
    %broadcast_in_dim3A_353 = vector.broadcast %broadcast_in_dim3A_352 : i32 to vector<256xi32>
    %swap3A_354 = arith.constant 0 : index
    %swap3A_355 = arith.constant 28 : index
    %swap3A_356 = arith.constant 0 : index
    %swap3A_357 = vector.load %arg6[%swap3A_354, %swap3A_355, %swap3A_356] : memref<1x32x256xi32, #tpu.memory_space<vmem>>, vector<1x1x256xi32>
    %swap3A_358 = vector.shape_cast %swap3A_357 : vector<1x1x256xi32> to vector<256xi32>
    %swap3A_359 = vector.shape_cast %broadcast_in_dim3A_353 : vector<256xi32> to vector<1x1x256xi32>
    tpu.vector_store %arg6[%swap3A_354, %swap3A_355, %swap3A_356], %swap3A_359 {strides = array<i32>} : memref<1x32x256xi32, #tpu.memory_space<vmem>>, vector<1x1x256xi32>,
    %broadcast_in_dim3A_360 = arith.constant 0 : i32
    %broadcast_in_dim3A_361 = vector.broadcast %broadcast_in_dim3A_360 : i32 to vector<256xi32>
    %swap3A_362 = arith.constant 0 : index
    %swap3A_363 = arith.constant 29 : index
    %swap3A_364 = arith.constant 0 : index
    %swap3A_365 = vector.load %arg6[%swap3A_362, %swap3A_363, %swap3A_364] : memref<1x32x256xi32, #tpu.memory_space<vmem>>, vector<1x1x256xi32>
    %swap3A_366 = vector.shape_cast %swap3A_365 : vector<1x1x256xi32> to vector<256xi32>
    %swap3A_367 = vector.shape_cast %broadcast_in_dim3A_361 : vector<256xi32> to vector<1x1x256xi32>
    tpu.vector_store %arg6[%swap3A_362, %swap3A_363, %swap3A_364], %swap3A_367 {strides = array<i32>} : memref<1x32x256xi32, #tpu.memory_space<vmem>>, vector<1x1x256xi32>,
    %broadcast_in_dim3A_368 = arith.constant 0 : i32
    %broadcast_in_dim3A_369 = vector.broadcast %broadcast_in_dim3A_368 : i32 to vector<256xi32>
    %swap3A_370 = arith.constant 0 : index
    %swap3A_371 = arith.constant 30 : index
    %swap3A_372 = arith.constant 0 : index
    %swap3A_373 = vector.load %arg6[%swap3A_370, %swap3A_371, %swap3A_372] : memref<1x32x256xi32, #tpu.memory_space<vmem>>, vector<1x1x256xi32>
    %swap3A_374 = vector.shape_cast %swap3A_373 : vector<1x1x256xi32> to vector<256xi32>
    %swap3A_375 = vector.shape_cast %broadcast_in_dim3A_369 : vector<256xi32> to vector<1x1x256xi32>
    tpu.vector_store %arg6[%swap3A_370, %swap3A_371, %swap3A_372], %swap3A_375 {strides = array<i32>} : memref<1x32x256xi32, #tpu.memory_space<vmem>>, vector<1x1x256xi32>,
    %broadcast_in_dim3A_376 = arith.constant 0 : i32
    %broadcast_in_dim3A_377 = vector.broadcast %broadcast_in_dim3A_376 : i32 to vector<256xi32>
    %swap3A_378 = arith.constant 0 : index
    %swap3A_379 = arith.constant 31 : index
    %swap3A_380 = arith.constant 0 : index
    %swap3A_381 = vector.load %arg6[%swap3A_378, %swap3A_379, %swap3A_380] : memref<1x32x256xi32, #tpu.memory_space<vmem>>, vector<1x1x256xi32>
    %swap3A_382 = vector.shape_cast %swap3A_381 : vector<1x1x256xi32> to vector<256xi32>
    %swap3A_383 = vector.shape_cast %broadcast_in_dim3A_377 : vector<256xi32> to vector<1x1x256xi32>
    tpu.vector_store %arg6[%swap3A_378, %swap3A_379, %swap3A_380], %swap3A_383 {strides = array<i32>} : memref<1x32x256xi32, #tpu.memory_space<vmem>>, vector<1x1x256xi32>,
    return
  }
  func.func @transform_0(%arg0: i32, %arg1: i32) -> (i32, i32, i32) {
    %c0_i32 = arith.constant 0 : i32
    %c0_i32_0 = arith.constant 0 : i32
    return %arg0, %c0_i32, %arg1 : i32, i32, i32
  }
  func.func @transform_1(%arg0: i32, %arg1: i32) -> (i32, i32, i32) {
    %c0_i32 = arith.constant 0 : i32
    %c0_i32_0 = arith.constant 0 : i32
    %c0_i32_1 = arith.constant 0 : i32
    return %arg0, %c0_i32, %c0_i32_0 : i32, i32, i32
  }
  func.func @transform_2(%arg0: i32, %arg1: i32) -> (i32, i32, i32) {
    %c0_i32 = arith.constant 0 : i32
    %c0_i32_0 = arith.constant 0 : i32
    return %arg0, %c0_i32, %arg1 : i32, i32, i32
  }
  func.func @transform_3(%arg0: i32, %arg1: i32) -> (i32, i32, i32) {
    %c0_i32 = arith.constant 0 : i32
    %c0_i32_0 = arith.constant 0 : i32
    %c0_i32_1 = arith.constant 0 : i32
    return %arg0, %c0_i32, %c0_i32_0 : i32, i32, i32
  }
  func.func @transform_4(%arg0: i32, %arg1: i32) -> (i32, i32, i32) {
    %c0_i32 = arith.constant 0 : i32
    %c0_i32_0 = arith.constant 0 : i32
    return %arg0, %c0_i32, %arg1 : i32, i32, i32
  }
}

module attributes {stable_mosaic.version = 14 : i64} {
  func.func @_topk_body(%arg0: i32, %arg1: i32, %arg2: memref<1x128x256xf32, #tpu.memory_space<vmem>>, %arg3: memref<1x128x2048xf32, #tpu.memory_space<vmem>>, %arg4: memref<1x1x256xi32, #tpu.memory_space<vmem>>, %arg5: memref<1x1x2048xi32, #tpu.memory_space<vmem>>, %arg6: memref<1x32x256xi32, #tpu.memory_space<vmem>>) attributes {dimension_semantics = [#tpu.dimension_semantics<arbitrary>, #tpu.dimension_semantics<arbitrary>], iteration_bounds = array<i64: 4, 8>, scalar_prefetch = 0 : i64, scratch_operands = 0 : i64, tpu.core_type = #tpu.core_type<tc>, window_params = [{transform_indices = @transform_0, window_bounds = array<i64: 1, 128, 256>}, {transform_indices = @transform_1, window_bounds = array<i64: 1, 128, 2048>}, {transform_indices = @transform_2, window_bounds = array<i64: 1, 1, 256>}, {transform_indices = @transform_3, window_bounds = array<i64: 1, 1, 2048>}, {transform_indices = @transform_4, window_bounds = array<i64: 1, 32, 256>}]} {
    %get3A = arith.constant 0 : index
    %get3A_0 = arith.constant 0 : index
    %get3A_1 = arith.constant 0 : index
    %get3A_2 = vector.load %arg2[%get3A, %get3A_0, %get3A_1] : memref<1x128x256xf32, #tpu.memory_space<vmem>>, vector<1x128x256xf32>
    %get3A_3 = vector.shape_cast %get3A_2 : vector<1x128x256xf32> to vector<128x256xf32>
    %get3A_4 = arith.constant 0 : index
    %get3A_5 = arith.constant 0 : index
    %get3A_6 = arith.constant 0 : index
    %get3A_7 = vector.load %arg3[%get3A_4, %get3A_5, %get3A_6] : memref<1x128x2048xf32, #tpu.memory_space<vmem>>, vector<1x128x2048xf32>
    %get3A_8 = vector.shape_cast %get3A_7 : vector<1x128x2048xf32> to vector<128x2048xf32>
    %dot_general3A = arith.constant dense<0.000000e+00> : vector<256x2048xf32>
    %dot_general3A_9 = tpu.matmul %get3A_3, %get3A_8, %dot_general3A {dimension_numbers = #tpu.dot_dimension_numbers<[0], [0], [1], [1], [0, 1, 1, 1], [], []>, transpose_lhs_hint = false} : vector<128x256xf32>, vector<128x2048xf32>, vector<256x2048xf32> -> vector<256x2048xf32>
    %mul3A = arith.mulf %get3A_3, %get3A_3 : vector<128x256xf32>
    %reduce_sum3A = arith.constant dense<0.000000e+00> : vector<256xf32>
    %reduce_sum3A_10 = vector.multi_reduction <add>, %mul3A, %reduce_sum3A [0] : vector<128x256xf32> to vector<256xf32>
    %mul3A_11 = arith.mulf %get3A_8, %get3A_8 : vector<128x2048xf32>
    %reduce_sum3A_12 = arith.constant dense<0.000000e+00> : vector<2048xf32>
    %reduce_sum3A_13 = vector.multi_reduction <add>, %mul3A_11, %reduce_sum3A_12 [0] : vector<128x2048xf32> to vector<2048xf32>
    %mul3A_14 = arith.constant 2.000000e+00 : f32
    %mul3A_15 = vector.broadcast %mul3A_14 : f32 to vector<256x2048xf32>
    %mul3A_16 = arith.mulf %mul3A_15, %dot_general3A_9 : vector<256x2048xf32>
    %broadcast_in_dim3A = vector.shape_cast %reduce_sum3A_10 : vector<256xf32> to vector<256x1xf32>
    %sub3A = vector.broadcast %broadcast_in_dim3A : vector<256x1xf32> to vector<256x2048xf32>
    %sub3A_17 = arith.subf %mul3A_16, %sub3A : vector<256x2048xf32>
    %broadcast_in_dim3A_18 = vector.shape_cast %reduce_sum3A_13 : vector<2048xf32> to vector<1x2048xf32>
    %sub3A_19 = vector.broadcast %broadcast_in_dim3A_18 : vector<1x2048xf32> to vector<256x2048xf32>
    %sub3A_20 = arith.subf %sub3A_17, %sub3A_19 : vector<256x2048xf32>
    %get3A_21 = arith.constant 0 : index
    %get3A_22 = arith.constant 0 : index
    %get3A_23 = arith.constant 0 : index
    %get3A_24 = vector.load %arg4[%get3A_21, %get3A_22, %get3A_23] : memref<1x1x256xi32, #tpu.memory_space<vmem>>, vector<1x1x256xi32>
    %get3A_25 = vector.shape_cast %get3A_24 : vector<1x1x256xi32> to vector<256xi32>
    %broadcast_in_dim3A_26 = vector.shape_cast %get3A_25 : vector<256xi32> to vector<256x1xi32>
    %get3A_27 = arith.constant 0 : index
    %get3A_28 = arith.constant 0 : index
    %get3A_29 = arith.constant 0 : index
    %get3A_30 = vector.load %arg5[%get3A_27, %get3A_28, %get3A_29] : memref<1x1x2048xi32, #tpu.memory_space<vmem>>, vector<1x1x2048xi32>
    %get3A_31 = vector.shape_cast %get3A_30 : vector<1x1x2048xi32> to vector<2048xi32>
    %broadcast_in_dim3A_32 = vector.shape_cast %get3A_31 : vector<2048xi32> to vector<1x2048xi32>
    %eq3A = vector.broadcast %broadcast_in_dim3A_26 : vector<256x1xi32> to vector<256x2048xi32>
    %eq3A_33 = vector.broadcast %broadcast_in_dim3A_32 : vector<1x2048xi32> to vector<256x2048xi32>
    %eq3A_34 = arith.cmpi eq, %eq3A, %eq3A_33 : vector<256x2048xi32>
    %jit3A = arith.constant 0xFF800000 : f32
    %broadcast_in_dim3A_35 = vector.broadcast %jit3A : f32 to vector<256x2048xf32>
    %select_n3A = arith.select %eq3A_34, %sub3A_20, %broadcast_in_dim3A_35 : vector<256x2048xi1>, vector<256x2048xf32>
    %iota3A = tpu.iota {dimensions = array<i32: 1>} : vector<256x2048xi32>
    %argmax3A = tpu.reduce_index %select_n3A {axis = 1 : i32, kind = #tpu.reduction_kind<arg_max>} : vector<256x2048xf32> -> vector<256xi32>
    %swap3A = arith.constant 0 : index
    %swap3A_36 = arith.constant 0 : index
    %swap3A_37 = arith.constant 0 : index
    %swap3A_38 = vector.load %arg6[%swap3A, %swap3A_36, %swap3A_37] : memref<1x32x256xi32, #tpu.memory_space<vmem>>, vector<1x1x256xi32>
    %swap3A_39 = vector.shape_cast %swap3A_38 : vector<1x1x256xi32> to vector<256xi32>
    %swap3A_40 = vector.shape_cast %argmax3A : vector<256xi32> to vector<1x1x256xi32>
    tpu.vector_store %arg6[%swap3A, %swap3A_36, %swap3A_37], %swap3A_40 {strides = array<i32>} : memref<1x32x256xi32, #tpu.memory_space<vmem>>, vector<1x1x256xi32>,
    %broadcast_in_dim3A_41 = vector.shape_cast %argmax3A : vector<256xi32> to vector<256x1xi32>
    %eq3A_42 = vector.broadcast %broadcast_in_dim3A_41 : vector<256x1xi32> to vector<256x2048xi32>
    %eq3A_43 = arith.cmpi eq, %iota3A, %eq3A_42 : vector<256x2048xi32>
    %jit3A_44 = arith.constant 0xFF800000 : f32
    %broadcast_in_dim3A_45 = vector.broadcast %jit3A_44 : f32 to vector<256x2048xf32>
    %select_n3A_46 = arith.select %eq3A_43, %broadcast_in_dim3A_45, %select_n3A : vector<256x2048xi1>, vector<256x2048xf32>
    %argmax3A_47 = tpu.reduce_index %select_n3A_46 {axis = 1 : i32, kind = #tpu.reduction_kind<arg_max>} : vector<256x2048xf32> -> vector<256xi32>
    %swap3A_48 = arith.constant 0 : index
    %swap3A_49 = arith.constant 1 : index
    %swap3A_50 = arith.constant 0 : index
    %swap3A_51 = vector.load %arg6[%swap3A_48, %swap3A_49, %swap3A_50] : memref<1x32x256xi32, #tpu.memory_space<vmem>>, vector<1x1x256xi32>
    %swap3A_52 = vector.shape_cast %swap3A_51 : vector<1x1x256xi32> to vector<256xi32>
    %swap3A_53 = vector.shape_cast %argmax3A_47 : vector<256xi32> to vector<1x1x256xi32>
    tpu.vector_store %arg6[%swap3A_48, %swap3A_49, %swap3A_50], %swap3A_53 {strides = array<i32>} : memref<1x32x256xi32, #tpu.memory_space<vmem>>, vector<1x1x256xi32>,
    %broadcast_in_dim3A_54 = vector.shape_cast %argmax3A_47 : vector<256xi32> to vector<256x1xi32>
    %eq3A_55 = vector.broadcast %broadcast_in_dim3A_54 : vector<256x1xi32> to vector<256x2048xi32>
    %eq3A_56 = arith.cmpi eq, %iota3A, %eq3A_55 : vector<256x2048xi32>
    %jit3A_57 = arith.constant 0xFF800000 : f32
    %broadcast_in_dim3A_58 = vector.broadcast %jit3A_57 : f32 to vector<256x2048xf32>
    %select_n3A_59 = arith.select %eq3A_56, %broadcast_in_dim3A_58, %select_n3A_46 : vector<256x2048xi1>, vector<256x2048xf32>
    %argmax3A_60 = tpu.reduce_index %select_n3A_59 {axis = 1 : i32, kind = #tpu.reduction_kind<arg_max>} : vector<256x2048xf32> -> vector<256xi32>
    %swap3A_61 = arith.constant 0 : index
    %swap3A_62 = arith.constant 2 : index
    %swap3A_63 = arith.constant 0 : index
    %swap3A_64 = vector.load %arg6[%swap3A_61, %swap3A_62, %swap3A_63] : memref<1x32x256xi32, #tpu.memory_space<vmem>>, vector<1x1x256xi32>
    %swap3A_65 = vector.shape_cast %swap3A_64 : vector<1x1x256xi32> to vector<256xi32>
    %swap3A_66 = vector.shape_cast %argmax3A_60 : vector<256xi32> to vector<1x1x256xi32>
    tpu.vector_store %arg6[%swap3A_61, %swap3A_62, %swap3A_63], %swap3A_66 {strides = array<i32>} : memref<1x32x256xi32, #tpu.memory_space<vmem>>, vector<1x1x256xi32>,
    %broadcast_in_dim3A_67 = vector.shape_cast %argmax3A_60 : vector<256xi32> to vector<256x1xi32>
    %eq3A_68 = vector.broadcast %broadcast_in_dim3A_67 : vector<256x1xi32> to vector<256x2048xi32>
    %eq3A_69 = arith.cmpi eq, %iota3A, %eq3A_68 : vector<256x2048xi32>
    %jit3A_70 = arith.constant 0xFF800000 : f32
    %broadcast_in_dim3A_71 = vector.broadcast %jit3A_70 : f32 to vector<256x2048xf32>
    %select_n3A_72 = arith.select %eq3A_69, %broadcast_in_dim3A_71, %select_n3A_59 : vector<256x2048xi1>, vector<256x2048xf32>
    %argmax3A_73 = tpu.reduce_index %select_n3A_72 {axis = 1 : i32, kind = #tpu.reduction_kind<arg_max>} : vector<256x2048xf32> -> vector<256xi32>
    %swap3A_74 = arith.constant 0 : index
    %swap3A_75 = arith.constant 3 : index
    %swap3A_76 = arith.constant 0 : index
    %swap3A_77 = vector.load %arg6[%swap3A_74, %swap3A_75, %swap3A_76] : memref<1x32x256xi32, #tpu.memory_space<vmem>>, vector<1x1x256xi32>
    %swap3A_78 = vector.shape_cast %swap3A_77 : vector<1x1x256xi32> to vector<256xi32>
    %swap3A_79 = vector.shape_cast %argmax3A_73 : vector<256xi32> to vector<1x1x256xi32>
    tpu.vector_store %arg6[%swap3A_74, %swap3A_75, %swap3A_76], %swap3A_79 {strides = array<i32>} : memref<1x32x256xi32, #tpu.memory_space<vmem>>, vector<1x1x256xi32>,
    %broadcast_in_dim3A_80 = vector.shape_cast %argmax3A_73 : vector<256xi32> to vector<256x1xi32>
    %eq3A_81 = vector.broadcast %broadcast_in_dim3A_80 : vector<256x1xi32> to vector<256x2048xi32>
    %eq3A_82 = arith.cmpi eq, %iota3A, %eq3A_81 : vector<256x2048xi32>
    %jit3A_83 = arith.constant 0xFF800000 : f32
    %broadcast_in_dim3A_84 = vector.broadcast %jit3A_83 : f32 to vector<256x2048xf32>
    %select_n3A_85 = arith.select %eq3A_82, %broadcast_in_dim3A_84, %select_n3A_72 : vector<256x2048xi1>, vector<256x2048xf32>
    %argmax3A_86 = tpu.reduce_index %select_n3A_85 {axis = 1 : i32, kind = #tpu.reduction_kind<arg_max>} : vector<256x2048xf32> -> vector<256xi32>
    %swap3A_87 = arith.constant 0 : index
    %swap3A_88 = arith.constant 4 : index
    %swap3A_89 = arith.constant 0 : index
    %swap3A_90 = vector.load %arg6[%swap3A_87, %swap3A_88, %swap3A_89] : memref<1x32x256xi32, #tpu.memory_space<vmem>>, vector<1x1x256xi32>
    %swap3A_91 = vector.shape_cast %swap3A_90 : vector<1x1x256xi32> to vector<256xi32>
    %swap3A_92 = vector.shape_cast %argmax3A_86 : vector<256xi32> to vector<1x1x256xi32>
    tpu.vector_store %arg6[%swap3A_87, %swap3A_88, %swap3A_89], %swap3A_92 {strides = array<i32>} : memref<1x32x256xi32, #tpu.memory_space<vmem>>, vector<1x1x256xi32>,
    %broadcast_in_dim3A_93 = vector.shape_cast %argmax3A_86 : vector<256xi32> to vector<256x1xi32>
    %eq3A_94 = vector.broadcast %broadcast_in_dim3A_93 : vector<256x1xi32> to vector<256x2048xi32>
    %eq3A_95 = arith.cmpi eq, %iota3A, %eq3A_94 : vector<256x2048xi32>
    %jit3A_96 = arith.constant 0xFF800000 : f32
    %broadcast_in_dim3A_97 = vector.broadcast %jit3A_96 : f32 to vector<256x2048xf32>
    %select_n3A_98 = arith.select %eq3A_95, %broadcast_in_dim3A_97, %select_n3A_85 : vector<256x2048xi1>, vector<256x2048xf32>
    %argmax3A_99 = tpu.reduce_index %select_n3A_98 {axis = 1 : i32, kind = #tpu.reduction_kind<arg_max>} : vector<256x2048xf32> -> vector<256xi32>
    %swap3A_100 = arith.constant 0 : index
    %swap3A_101 = arith.constant 5 : index
    %swap3A_102 = arith.constant 0 : index
    %swap3A_103 = vector.load %arg6[%swap3A_100, %swap3A_101, %swap3A_102] : memref<1x32x256xi32, #tpu.memory_space<vmem>>, vector<1x1x256xi32>
    %swap3A_104 = vector.shape_cast %swap3A_103 : vector<1x1x256xi32> to vector<256xi32>
    %swap3A_105 = vector.shape_cast %argmax3A_99 : vector<256xi32> to vector<1x1x256xi32>
    tpu.vector_store %arg6[%swap3A_100, %swap3A_101, %swap3A_102], %swap3A_105 {strides = array<i32>} : memref<1x32x256xi32, #tpu.memory_space<vmem>>, vector<1x1x256xi32>,
    %broadcast_in_dim3A_106 = vector.shape_cast %argmax3A_99 : vector<256xi32> to vector<256x1xi32>
    %eq3A_107 = vector.broadcast %broadcast_in_dim3A_106 : vector<256x1xi32> to vector<256x2048xi32>
    %eq3A_108 = arith.cmpi eq, %iota3A, %eq3A_107 : vector<256x2048xi32>
    %jit3A_109 = arith.constant 0xFF800000 : f32
    %broadcast_in_dim3A_110 = vector.broadcast %jit3A_109 : f32 to vector<256x2048xf32>
    %select_n3A_111 = arith.select %eq3A_108, %broadcast_in_dim3A_110, %select_n3A_98 : vector<256x2048xi1>, vector<256x2048xf32>
    %argmax3A_112 = tpu.reduce_index %select_n3A_111 {axis = 1 : i32, kind = #tpu.reduction_kind<arg_max>} : vector<256x2048xf32> -> vector<256xi32>
    %swap3A_113 = arith.constant 0 : index
    %swap3A_114 = arith.constant 6 : index
    %swap3A_115 = arith.constant 0 : index
    %swap3A_116 = vector.load %arg6[%swap3A_113, %swap3A_114, %swap3A_115] : memref<1x32x256xi32, #tpu.memory_space<vmem>>, vector<1x1x256xi32>
    %swap3A_117 = vector.shape_cast %swap3A_116 : vector<1x1x256xi32> to vector<256xi32>
    %swap3A_118 = vector.shape_cast %argmax3A_112 : vector<256xi32> to vector<1x1x256xi32>
    tpu.vector_store %arg6[%swap3A_113, %swap3A_114, %swap3A_115], %swap3A_118 {strides = array<i32>} : memref<1x32x256xi32, #tpu.memory_space<vmem>>, vector<1x1x256xi32>,
    %broadcast_in_dim3A_119 = vector.shape_cast %argmax3A_112 : vector<256xi32> to vector<256x1xi32>
    %eq3A_120 = vector.broadcast %broadcast_in_dim3A_119 : vector<256x1xi32> to vector<256x2048xi32>
    %eq3A_121 = arith.cmpi eq, %iota3A, %eq3A_120 : vector<256x2048xi32>
    %jit3A_122 = arith.constant 0xFF800000 : f32
    %broadcast_in_dim3A_123 = vector.broadcast %jit3A_122 : f32 to vector<256x2048xf32>
    %select_n3A_124 = arith.select %eq3A_121, %broadcast_in_dim3A_123, %select_n3A_111 : vector<256x2048xi1>, vector<256x2048xf32>
    %argmax3A_125 = tpu.reduce_index %select_n3A_124 {axis = 1 : i32, kind = #tpu.reduction_kind<arg_max>} : vector<256x2048xf32> -> vector<256xi32>
    %swap3A_126 = arith.constant 0 : index
    %swap3A_127 = arith.constant 7 : index
    %swap3A_128 = arith.constant 0 : index
    %swap3A_129 = vector.load %arg6[%swap3A_126, %swap3A_127, %swap3A_128] : memref<1x32x256xi32, #tpu.memory_space<vmem>>, vector<1x1x256xi32>
    %swap3A_130 = vector.shape_cast %swap3A_129 : vector<1x1x256xi32> to vector<256xi32>
    %swap3A_131 = vector.shape_cast %argmax3A_125 : vector<256xi32> to vector<1x1x256xi32>
    tpu.vector_store %arg6[%swap3A_126, %swap3A_127, %swap3A_128], %swap3A_131 {strides = array<i32>} : memref<1x32x256xi32, #tpu.memory_space<vmem>>, vector<1x1x256xi32>,
    %broadcast_in_dim3A_132 = vector.shape_cast %argmax3A_125 : vector<256xi32> to vector<256x1xi32>
    %eq3A_133 = vector.broadcast %broadcast_in_dim3A_132 : vector<256x1xi32> to vector<256x2048xi32>
    %eq3A_134 = arith.cmpi eq, %iota3A, %eq3A_133 : vector<256x2048xi32>
    %jit3A_135 = arith.constant 0xFF800000 : f32
    %broadcast_in_dim3A_136 = vector.broadcast %jit3A_135 : f32 to vector<256x2048xf32>
    %select_n3A_137 = arith.select %eq3A_134, %broadcast_in_dim3A_136, %select_n3A_124 : vector<256x2048xi1>, vector<256x2048xf32>
    %argmax3A_138 = tpu.reduce_index %select_n3A_137 {axis = 1 : i32, kind = #tpu.reduction_kind<arg_max>} : vector<256x2048xf32> -> vector<256xi32>
    %swap3A_139 = arith.constant 0 : index
    %swap3A_140 = arith.constant 8 : index
    %swap3A_141 = arith.constant 0 : index
    %swap3A_142 = vector.load %arg6[%swap3A_139, %swap3A_140, %swap3A_141] : memref<1x32x256xi32, #tpu.memory_space<vmem>>, vector<1x1x256xi32>
    %swap3A_143 = vector.shape_cast %swap3A_142 : vector<1x1x256xi32> to vector<256xi32>
    %swap3A_144 = vector.shape_cast %argmax3A_138 : vector<256xi32> to vector<1x1x256xi32>
    tpu.vector_store %arg6[%swap3A_139, %swap3A_140, %swap3A_141], %swap3A_144 {strides = array<i32>} : memref<1x32x256xi32, #tpu.memory_space<vmem>>, vector<1x1x256xi32>,
    %broadcast_in_dim3A_145 = vector.shape_cast %argmax3A_138 : vector<256xi32> to vector<256x1xi32>
    %eq3A_146 = vector.broadcast %broadcast_in_dim3A_145 : vector<256x1xi32> to vector<256x2048xi32>
    %eq3A_147 = arith.cmpi eq, %iota3A, %eq3A_146 : vector<256x2048xi32>
    %jit3A_148 = arith.constant 0xFF800000 : f32
    %broadcast_in_dim3A_149 = vector.broadcast %jit3A_148 : f32 to vector<256x2048xf32>
    %select_n3A_150 = arith.select %eq3A_147, %broadcast_in_dim3A_149, %select_n3A_137 : vector<256x2048xi1>, vector<256x2048xf32>
    %argmax3A_151 = tpu.reduce_index %select_n3A_150 {axis = 1 : i32, kind = #tpu.reduction_kind<arg_max>} : vector<256x2048xf32> -> vector<256xi32>
    %swap3A_152 = arith.constant 0 : index
    %swap3A_153 = arith.constant 9 : index
    %swap3A_154 = arith.constant 0 : index
    %swap3A_155 = vector.load %arg6[%swap3A_152, %swap3A_153, %swap3A_154] : memref<1x32x256xi32, #tpu.memory_space<vmem>>, vector<1x1x256xi32>
    %swap3A_156 = vector.shape_cast %swap3A_155 : vector<1x1x256xi32> to vector<256xi32>
    %swap3A_157 = vector.shape_cast %argmax3A_151 : vector<256xi32> to vector<1x1x256xi32>
    tpu.vector_store %arg6[%swap3A_152, %swap3A_153, %swap3A_154], %swap3A_157 {strides = array<i32>} : memref<1x32x256xi32, #tpu.memory_space<vmem>>, vector<1x1x256xi32>,
    %broadcast_in_dim3A_158 = vector.shape_cast %argmax3A_151 : vector<256xi32> to vector<256x1xi32>
    %eq3A_159 = vector.broadcast %broadcast_in_dim3A_158 : vector<256x1xi32> to vector<256x2048xi32>
    %eq3A_160 = arith.cmpi eq, %iota3A, %eq3A_159 : vector<256x2048xi32>
    %jit3A_161 = arith.constant 0xFF800000 : f32
    %broadcast_in_dim3A_162 = vector.broadcast %jit3A_161 : f32 to vector<256x2048xf32>
    %select_n3A_163 = arith.select %eq3A_160, %broadcast_in_dim3A_162, %select_n3A_150 : vector<256x2048xi1>, vector<256x2048xf32>
    %argmax3A_164 = tpu.reduce_index %select_n3A_163 {axis = 1 : i32, kind = #tpu.reduction_kind<arg_max>} : vector<256x2048xf32> -> vector<256xi32>
    %swap3A_165 = arith.constant 0 : index
    %swap3A_166 = arith.constant 10 : index
    %swap3A_167 = arith.constant 0 : index
    %swap3A_168 = vector.load %arg6[%swap3A_165, %swap3A_166, %swap3A_167] : memref<1x32x256xi32, #tpu.memory_space<vmem>>, vector<1x1x256xi32>
    %swap3A_169 = vector.shape_cast %swap3A_168 : vector<1x1x256xi32> to vector<256xi32>
    %swap3A_170 = vector.shape_cast %argmax3A_164 : vector<256xi32> to vector<1x1x256xi32>
    tpu.vector_store %arg6[%swap3A_165, %swap3A_166, %swap3A_167], %swap3A_170 {strides = array<i32>} : memref<1x32x256xi32, #tpu.memory_space<vmem>>, vector<1x1x256xi32>,
    %broadcast_in_dim3A_171 = vector.shape_cast %argmax3A_164 : vector<256xi32> to vector<256x1xi32>
    %eq3A_172 = vector.broadcast %broadcast_in_dim3A_171 : vector<256x1xi32> to vector<256x2048xi32>
    %eq3A_173 = arith.cmpi eq, %iota3A, %eq3A_172 : vector<256x2048xi32>
    %jit3A_174 = arith.constant 0xFF800000 : f32
    %broadcast_in_dim3A_175 = vector.broadcast %jit3A_174 : f32 to vector<256x2048xf32>
    %select_n3A_176 = arith.select %eq3A_173, %broadcast_in_dim3A_175, %select_n3A_163 : vector<256x2048xi1>, vector<256x2048xf32>
    %argmax3A_177 = tpu.reduce_index %select_n3A_176 {axis = 1 : i32, kind = #tpu.reduction_kind<arg_max>} : vector<256x2048xf32> -> vector<256xi32>
    %swap3A_178 = arith.constant 0 : index
    %swap3A_179 = arith.constant 11 : index
    %swap3A_180 = arith.constant 0 : index
    %swap3A_181 = vector.load %arg6[%swap3A_178, %swap3A_179, %swap3A_180] : memref<1x32x256xi32, #tpu.memory_space<vmem>>, vector<1x1x256xi32>
    %swap3A_182 = vector.shape_cast %swap3A_181 : vector<1x1x256xi32> to vector<256xi32>
    %swap3A_183 = vector.shape_cast %argmax3A_177 : vector<256xi32> to vector<1x1x256xi32>
    tpu.vector_store %arg6[%swap3A_178, %swap3A_179, %swap3A_180], %swap3A_183 {strides = array<i32>} : memref<1x32x256xi32, #tpu.memory_space<vmem>>, vector<1x1x256xi32>,
    %broadcast_in_dim3A_184 = vector.shape_cast %argmax3A_177 : vector<256xi32> to vector<256x1xi32>
    %eq3A_185 = vector.broadcast %broadcast_in_dim3A_184 : vector<256x1xi32> to vector<256x2048xi32>
    %eq3A_186 = arith.cmpi eq, %iota3A, %eq3A_185 : vector<256x2048xi32>
    %jit3A_187 = arith.constant 0xFF800000 : f32
    %broadcast_in_dim3A_188 = vector.broadcast %jit3A_187 : f32 to vector<256x2048xf32>
    %select_n3A_189 = arith.select %eq3A_186, %broadcast_in_dim3A_188, %select_n3A_176 : vector<256x2048xi1>, vector<256x2048xf32>
    %argmax3A_190 = tpu.reduce_index %select_n3A_189 {axis = 1 : i32, kind = #tpu.reduction_kind<arg_max>} : vector<256x2048xf32> -> vector<256xi32>
    %swap3A_191 = arith.constant 0 : index
    %swap3A_192 = arith.constant 12 : index
    %swap3A_193 = arith.constant 0 : index
    %swap3A_194 = vector.load %arg6[%swap3A_191, %swap3A_192, %swap3A_193] : memref<1x32x256xi32, #tpu.memory_space<vmem>>, vector<1x1x256xi32>
    %swap3A_195 = vector.shape_cast %swap3A_194 : vector<1x1x256xi32> to vector<256xi32>
    %swap3A_196 = vector.shape_cast %argmax3A_190 : vector<256xi32> to vector<1x1x256xi32>
    tpu.vector_store %arg6[%swap3A_191, %swap3A_192, %swap3A_193], %swap3A_196 {strides = array<i32>} : memref<1x32x256xi32, #tpu.memory_space<vmem>>, vector<1x1x256xi32>,
    %broadcast_in_dim3A_197 = vector.shape_cast %argmax3A_190 : vector<256xi32> to vector<256x1xi32>
    %eq3A_198 = vector.broadcast %broadcast_in_dim3A_197 : vector<256x1xi32> to vector<256x2048xi32>
    %eq3A_199 = arith.cmpi eq, %iota3A, %eq3A_198 : vector<256x2048xi32>
    %jit3A_200 = arith.constant 0xFF800000 : f32
    %broadcast_in_dim3A_201 = vector.broadcast %jit3A_200 : f32 to vector<256x2048xf32>
    %select_n3A_202 = arith.select %eq3A_199, %broadcast_in_dim3A_201, %select_n3A_189 : vector<256x2048xi1>, vector<256x2048xf32>
    %argmax3A_203 = tpu.reduce_index %select_n3A_202 {axis = 1 : i32, kind = #tpu.reduction_kind<arg_max>} : vector<256x2048xf32> -> vector<256xi32>
    %swap3A_204 = arith.constant 0 : index
    %swap3A_205 = arith.constant 13 : index
    %swap3A_206 = arith.constant 0 : index
    %swap3A_207 = vector.load %arg6[%swap3A_204, %swap3A_205, %swap3A_206] : memref<1x32x256xi32, #tpu.memory_space<vmem>>, vector<1x1x256xi32>
    %swap3A_208 = vector.shape_cast %swap3A_207 : vector<1x1x256xi32> to vector<256xi32>
    %swap3A_209 = vector.shape_cast %argmax3A_203 : vector<256xi32> to vector<1x1x256xi32>
    tpu.vector_store %arg6[%swap3A_204, %swap3A_205, %swap3A_206], %swap3A_209 {strides = array<i32>} : memref<1x32x256xi32, #tpu.memory_space<vmem>>, vector<1x1x256xi32>,
    %broadcast_in_dim3A_210 = vector.shape_cast %argmax3A_203 : vector<256xi32> to vector<256x1xi32>
    %eq3A_211 = vector.broadcast %broadcast_in_dim3A_210 : vector<256x1xi32> to vector<256x2048xi32>
    %eq3A_212 = arith.cmpi eq, %iota3A, %eq3A_211 : vector<256x2048xi32>
    %jit3A_213 = arith.constant 0xFF800000 : f32
    %broadcast_in_dim3A_214 = vector.broadcast %jit3A_213 : f32 to vector<256x2048xf32>
    %select_n3A_215 = arith.select %eq3A_212, %broadcast_in_dim3A_214, %select_n3A_202 : vector<256x2048xi1>, vector<256x2048xf32>
    %argmax3A_216 = tpu.reduce_index %select_n3A_215 {axis = 1 : i32, kind = #tpu.reduction_kind<arg_max>} : vector<256x2048xf32> -> vector<256xi32>
    %swap3A_217 = arith.constant 0 : index
    %swap3A_218 = arith.constant 14 : index
    %swap3A_219 = arith.constant 0 : index
    %swap3A_220 = vector.load %arg6[%swap3A_217, %swap3A_218, %swap3A_219] : memref<1x32x256xi32, #tpu.memory_space<vmem>>, vector<1x1x256xi32>
    %swap3A_221 = vector.shape_cast %swap3A_220 : vector<1x1x256xi32> to vector<256xi32>
    %swap3A_222 = vector.shape_cast %argmax3A_216 : vector<256xi32> to vector<1x1x256xi32>
    tpu.vector_store %arg6[%swap3A_217, %swap3A_218, %swap3A_219], %swap3A_222 {strides = array<i32>} : memref<1x32x256xi32, #tpu.memory_space<vmem>>, vector<1x1x256xi32>,
    %broadcast_in_dim3A_223 = vector.shape_cast %argmax3A_216 : vector<256xi32> to vector<256x1xi32>
    %eq3A_224 = vector.broadcast %broadcast_in_dim3A_223 : vector<256x1xi32> to vector<256x2048xi32>
    %eq3A_225 = arith.cmpi eq, %iota3A, %eq3A_224 : vector<256x2048xi32>
    %jit3A_226 = arith.constant 0xFF800000 : f32
    %broadcast_in_dim3A_227 = vector.broadcast %jit3A_226 : f32 to vector<256x2048xf32>
    %select_n3A_228 = arith.select %eq3A_225, %broadcast_in_dim3A_227, %select_n3A_215 : vector<256x2048xi1>, vector<256x2048xf32>
    %argmax3A_229 = tpu.reduce_index %select_n3A_228 {axis = 1 : i32, kind = #tpu.reduction_kind<arg_max>} : vector<256x2048xf32> -> vector<256xi32>
    %swap3A_230 = arith.constant 0 : index
    %swap3A_231 = arith.constant 15 : index
    %swap3A_232 = arith.constant 0 : index
    %swap3A_233 = vector.load %arg6[%swap3A_230, %swap3A_231, %swap3A_232] : memref<1x32x256xi32, #tpu.memory_space<vmem>>, vector<1x1x256xi32>
    %swap3A_234 = vector.shape_cast %swap3A_233 : vector<1x1x256xi32> to vector<256xi32>
    %swap3A_235 = vector.shape_cast %argmax3A_229 : vector<256xi32> to vector<1x1x256xi32>
    tpu.vector_store %arg6[%swap3A_230, %swap3A_231, %swap3A_232], %swap3A_235 {strides = array<i32>} : memref<1x32x256xi32, #tpu.memory_space<vmem>>, vector<1x1x256xi32>,
    %broadcast_in_dim3A_236 = vector.shape_cast %argmax3A_229 : vector<256xi32> to vector<256x1xi32>
    %eq3A_237 = vector.broadcast %broadcast_in_dim3A_236 : vector<256x1xi32> to vector<256x2048xi32>
    %eq3A_238 = arith.cmpi eq, %iota3A, %eq3A_237 : vector<256x2048xi32>
    %jit3A_239 = arith.constant 0xFF800000 : f32
    %broadcast_in_dim3A_240 = vector.broadcast %jit3A_239 : f32 to vector<256x2048xf32>
    %select_n3A_241 = arith.select %eq3A_238, %broadcast_in_dim3A_240, %select_n3A_228 : vector<256x2048xi1>, vector<256x2048xf32>
    %argmax3A_242 = tpu.reduce_index %select_n3A_241 {axis = 1 : i32, kind = #tpu.reduction_kind<arg_max>} : vector<256x2048xf32> -> vector<256xi32>
    %swap3A_243 = arith.constant 0 : index
    %swap3A_244 = arith.constant 16 : index
    %swap3A_245 = arith.constant 0 : index
    %swap3A_246 = vector.load %arg6[%swap3A_243, %swap3A_244, %swap3A_245] : memref<1x32x256xi32, #tpu.memory_space<vmem>>, vector<1x1x256xi32>
    %swap3A_247 = vector.shape_cast %swap3A_246 : vector<1x1x256xi32> to vector<256xi32>
    %swap3A_248 = vector.shape_cast %argmax3A_242 : vector<256xi32> to vector<1x1x256xi32>
    tpu.vector_store %arg6[%swap3A_243, %swap3A_244, %swap3A_245], %swap3A_248 {strides = array<i32>} : memref<1x32x256xi32, #tpu.memory_space<vmem>>, vector<1x1x256xi32>,
    %broadcast_in_dim3A_249 = vector.shape_cast %argmax3A_242 : vector<256xi32> to vector<256x1xi32>
    %eq3A_250 = vector.broadcast %broadcast_in_dim3A_249 : vector<256x1xi32> to vector<256x2048xi32>
    %eq3A_251 = arith.cmpi eq, %iota3A, %eq3A_250 : vector<256x2048xi32>
    %jit3A_252 = arith.constant 0xFF800000 : f32
    %broadcast_in_dim3A_253 = vector.broadcast %jit3A_252 : f32 to vector<256x2048xf32>
    %select_n3A_254 = arith.select %eq3A_251, %broadcast_in_dim3A_253, %select_n3A_241 : vector<256x2048xi1>, vector<256x2048xf32>
    %argmax3A_255 = tpu.reduce_index %select_n3A_254 {axis = 1 : i32, kind = #tpu.reduction_kind<arg_max>} : vector<256x2048xf32> -> vector<256xi32>
    %swap3A_256 = arith.constant 0 : index
    %swap3A_257 = arith.constant 17 : index
    %swap3A_258 = arith.constant 0 : index
    %swap3A_259 = vector.load %arg6[%swap3A_256, %swap3A_257, %swap3A_258] : memref<1x32x256xi32, #tpu.memory_space<vmem>>, vector<1x1x256xi32>
    %swap3A_260 = vector.shape_cast %swap3A_259 : vector<1x1x256xi32> to vector<256xi32>
    %swap3A_261 = vector.shape_cast %argmax3A_255 : vector<256xi32> to vector<1x1x256xi32>
    tpu.vector_store %arg6[%swap3A_256, %swap3A_257, %swap3A_258], %swap3A_261 {strides = array<i32>} : memref<1x32x256xi32, #tpu.memory_space<vmem>>, vector<1x1x256xi32>,
    %broadcast_in_dim3A_262 = vector.shape_cast %argmax3A_255 : vector<256xi32> to vector<256x1xi32>
    %eq3A_263 = vector.broadcast %broadcast_in_dim3A_262 : vector<256x1xi32> to vector<256x2048xi32>
    %eq3A_264 = arith.cmpi eq, %iota3A, %eq3A_263 : vector<256x2048xi32>
    %jit3A_265 = arith.constant 0xFF800000 : f32
    %broadcast_in_dim3A_266 = vector.broadcast %jit3A_265 : f32 to vector<256x2048xf32>
    %select_n3A_267 = arith.select %eq3A_264, %broadcast_in_dim3A_266, %select_n3A_254 : vector<256x2048xi1>, vector<256x2048xf32>
    %argmax3A_268 = tpu.reduce_index %select_n3A_267 {axis = 1 : i32, kind = #tpu.reduction_kind<arg_max>} : vector<256x2048xf32> -> vector<256xi32>
    %swap3A_269 = arith.constant 0 : index
    %swap3A_270 = arith.constant 18 : index
    %swap3A_271 = arith.constant 0 : index
    %swap3A_272 = vector.load %arg6[%swap3A_269, %swap3A_270, %swap3A_271] : memref<1x32x256xi32, #tpu.memory_space<vmem>>, vector<1x1x256xi32>
    %swap3A_273 = vector.shape_cast %swap3A_272 : vector<1x1x256xi32> to vector<256xi32>
    %swap3A_274 = vector.shape_cast %argmax3A_268 : vector<256xi32> to vector<1x1x256xi32>
    tpu.vector_store %arg6[%swap3A_269, %swap3A_270, %swap3A_271], %swap3A_274 {strides = array<i32>} : memref<1x32x256xi32, #tpu.memory_space<vmem>>, vector<1x1x256xi32>,
    %broadcast_in_dim3A_275 = vector.shape_cast %argmax3A_268 : vector<256xi32> to vector<256x1xi32>
    %eq3A_276 = vector.broadcast %broadcast_in_dim3A_275 : vector<256x1xi32> to vector<256x2048xi32>
    %eq3A_277 = arith.cmpi eq, %iota3A, %eq3A_276 : vector<256x2048xi32>
    %jit3A_278 = arith.constant 0xFF800000 : f32
    %broadcast_in_dim3A_279 = vector.broadcast %jit3A_278 : f32 to vector<256x2048xf32>
    %select_n3A_280 = arith.select %eq3A_277, %broadcast_in_dim3A_279, %select_n3A_267 : vector<256x2048xi1>, vector<256x2048xf32>
    %argmax3A_281 = tpu.reduce_index %select_n3A_280 {axis = 1 : i32, kind = #tpu.reduction_kind<arg_max>} : vector<256x2048xf32> -> vector<256xi32>
    %swap3A_282 = arith.constant 0 : index
    %swap3A_283 = arith.constant 19 : index
    %swap3A_284 = arith.constant 0 : index
    %swap3A_285 = vector.load %arg6[%swap3A_282, %swap3A_283, %swap3A_284] : memref<1x32x256xi32, #tpu.memory_space<vmem>>, vector<1x1x256xi32>
    %swap3A_286 = vector.shape_cast %swap3A_285 : vector<1x1x256xi32> to vector<256xi32>
    %swap3A_287 = vector.shape_cast %argmax3A_281 : vector<256xi32> to vector<1x1x256xi32>
    tpu.vector_store %arg6[%swap3A_282, %swap3A_283, %swap3A_284], %swap3A_287 {strides = array<i32>} : memref<1x32x256xi32, #tpu.memory_space<vmem>>, vector<1x1x256xi32>,
    %broadcast_in_dim3A_288 = arith.constant 0 : i32
    %broadcast_in_dim3A_289 = vector.broadcast %broadcast_in_dim3A_288 : i32 to vector<256xi32>
    %swap3A_290 = arith.constant 0 : index
    %swap3A_291 = arith.constant 20 : index
    %swap3A_292 = arith.constant 0 : index
    %swap3A_293 = vector.load %arg6[%swap3A_290, %swap3A_291, %swap3A_292] : memref<1x32x256xi32, #tpu.memory_space<vmem>>, vector<1x1x256xi32>
    %swap3A_294 = vector.shape_cast %swap3A_293 : vector<1x1x256xi32> to vector<256xi32>
    %swap3A_295 = vector.shape_cast %broadcast_in_dim3A_289 : vector<256xi32> to vector<1x1x256xi32>
    tpu.vector_store %arg6[%swap3A_290, %swap3A_291, %swap3A_292], %swap3A_295 {strides = array<i32>} : memref<1x32x256xi32, #tpu.memory_space<vmem>>, vector<1x1x256xi32>,
    %broadcast_in_dim3A_296 = arith.constant 0 : i32
    %broadcast_in_dim3A_297 = vector.broadcast %broadcast_in_dim3A_296 : i32 to vector<256xi32>
    %swap3A_298 = arith.constant 0 : index
    %swap3A_299 = arith.constant 21 : index
    %swap3A_300 = arith.constant 0 : index
    %swap3A_301 = vector.load %arg6[%swap3A_298, %swap3A_299, %swap3A_300] : memref<1x32x256xi32, #tpu.memory_space<vmem>>, vector<1x1x256xi32>
    %swap3A_302 = vector.shape_cast %swap3A_301 : vector<1x1x256xi32> to vector<256xi32>
    %swap3A_303 = vector.shape_cast %broadcast_in_dim3A_297 : vector<256xi32> to vector<1x1x256xi32>
    tpu.vector_store %arg6[%swap3A_298, %swap3A_299, %swap3A_300], %swap3A_303 {strides = array<i32>} : memref<1x32x256xi32, #tpu.memory_space<vmem>>, vector<1x1x256xi32>,
    %broadcast_in_dim3A_304 = arith.constant 0 : i32
    %broadcast_in_dim3A_305 = vector.broadcast %broadcast_in_dim3A_304 : i32 to vector<256xi32>
    %swap3A_306 = arith.constant 0 : index
    %swap3A_307 = arith.constant 22 : index
    %swap3A_308 = arith.constant 0 : index
    %swap3A_309 = vector.load %arg6[%swap3A_306, %swap3A_307, %swap3A_308] : memref<1x32x256xi32, #tpu.memory_space<vmem>>, vector<1x1x256xi32>
    %swap3A_310 = vector.shape_cast %swap3A_309 : vector<1x1x256xi32> to vector<256xi32>
    %swap3A_311 = vector.shape_cast %broadcast_in_dim3A_305 : vector<256xi32> to vector<1x1x256xi32>
    tpu.vector_store %arg6[%swap3A_306, %swap3A_307, %swap3A_308], %swap3A_311 {strides = array<i32>} : memref<1x32x256xi32, #tpu.memory_space<vmem>>, vector<1x1x256xi32>,
    %broadcast_in_dim3A_312 = arith.constant 0 : i32
    %broadcast_in_dim3A_313 = vector.broadcast %broadcast_in_dim3A_312 : i32 to vector<256xi32>
    %swap3A_314 = arith.constant 0 : index
    %swap3A_315 = arith.constant 23 : index
    %swap3A_316 = arith.constant 0 : index
    %swap3A_317 = vector.load %arg6[%swap3A_314, %swap3A_315, %swap3A_316] : memref<1x32x256xi32, #tpu.memory_space<vmem>>, vector<1x1x256xi32>
    %swap3A_318 = vector.shape_cast %swap3A_317 : vector<1x1x256xi32> to vector<256xi32>
    %swap3A_319 = vector.shape_cast %broadcast_in_dim3A_313 : vector<256xi32> to vector<1x1x256xi32>
    tpu.vector_store %arg6[%swap3A_314, %swap3A_315, %swap3A_316], %swap3A_319 {strides = array<i32>} : memref<1x32x256xi32, #tpu.memory_space<vmem>>, vector<1x1x256xi32>,
    %broadcast_in_dim3A_320 = arith.constant 0 : i32
    %broadcast_in_dim3A_321 = vector.broadcast %broadcast_in_dim3A_320 : i32 to vector<256xi32>
    %swap3A_322 = arith.constant 0 : index
    %swap3A_323 = arith.constant 24 : index
    %swap3A_324 = arith.constant 0 : index
    %swap3A_325 = vector.load %arg6[%swap3A_322, %swap3A_323, %swap3A_324] : memref<1x32x256xi32, #tpu.memory_space<vmem>>, vector<1x1x256xi32>
    %swap3A_326 = vector.shape_cast %swap3A_325 : vector<1x1x256xi32> to vector<256xi32>
    %swap3A_327 = vector.shape_cast %broadcast_in_dim3A_321 : vector<256xi32> to vector<1x1x256xi32>
    tpu.vector_store %arg6[%swap3A_322, %swap3A_323, %swap3A_324], %swap3A_327 {strides = array<i32>} : memref<1x32x256xi32, #tpu.memory_space<vmem>>, vector<1x1x256xi32>,
    %broadcast_in_dim3A_328 = arith.constant 0 : i32
    %broadcast_in_dim3A_329 = vector.broadcast %broadcast_in_dim3A_328 : i32 to vector<256xi32>
    %swap3A_330 = arith.constant 0 : index
    %swap3A_331 = arith.constant 25 : index
    %swap3A_332 = arith.constant 0 : index
    %swap3A_333 = vector.load %arg6[%swap3A_330, %swap3A_331, %swap3A_332] : memref<1x32x256xi32, #tpu.memory_space<vmem>>, vector<1x1x256xi32>
    %swap3A_334 = vector.shape_cast %swap3A_333 : vector<1x1x256xi32> to vector<256xi32>
    %swap3A_335 = vector.shape_cast %broadcast_in_dim3A_329 : vector<256xi32> to vector<1x1x256xi32>
    tpu.vector_store %arg6[%swap3A_330, %swap3A_331, %swap3A_332], %swap3A_335 {strides = array<i32>} : memref<1x32x256xi32, #tpu.memory_space<vmem>>, vector<1x1x256xi32>,
    %broadcast_in_dim3A_336 = arith.constant 0 : i32
    %broadcast_in_dim3A_337 = vector.broadcast %broadcast_in_dim3A_336 : i32 to vector<256xi32>
    %swap3A_338 = arith.constant 0 : index
    %swap3A_339 = arith.constant 26 : index
    %swap3A_340 = arith.constant 0 : index
    %swap3A_341 = vector.load %arg6[%swap3A_338, %swap3A_339, %swap3A_340] : memref<1x32x256xi32, #tpu.memory_space<vmem>>, vector<1x1x256xi32>
    %swap3A_342 = vector.shape_cast %swap3A_341 : vector<1x1x256xi32> to vector<256xi32>
    %swap3A_343 = vector.shape_cast %broadcast_in_dim3A_337 : vector<256xi32> to vector<1x1x256xi32>
    tpu.vector_store %arg6[%swap3A_338, %swap3A_339, %swap3A_340], %swap3A_343 {strides = array<i32>} : memref<1x32x256xi32, #tpu.memory_space<vmem>>, vector<1x1x256xi32>,
    %broadcast_in_dim3A_344 = arith.constant 0 : i32
    %broadcast_in_dim3A_345 = vector.broadcast %broadcast_in_dim3A_344 : i32 to vector<256xi32>
    %swap3A_346 = arith.constant 0 : index
    %swap3A_347 = arith.constant 27 : index
    %swap3A_348 = arith.constant 0 : index
    %swap3A_349 = vector.load %arg6[%swap3A_346, %swap3A_347, %swap3A_348] : memref<1x32x256xi32, #tpu.memory_space<vmem>>, vector<1x1x256xi32>
    %swap3A_350 = vector.shape_cast %swap3A_349 : vector<1x1x256xi32> to vector<256xi32>
    %swap3A_351 = vector.shape_cast %broadcast_in_dim3A_345 : vector<256xi32> to vector<1x1x256xi32>
    tpu.vector_store %arg6[%swap3A_346, %swap3A_347, %swap3A_348], %swap3A_351 {strides = array<i32>} : memref<1x32x256xi32, #tpu.memory_space<vmem>>, vector<1x1x256xi32>,
    %broadcast_in_dim3A_352 = arith.constant 0 : i32
    %broadcast_in_dim3A_353 = vector.broadcast %broadcast_in_dim3A_352 : i32 to vector<256xi32>
    %swap3A_354 = arith.constant 0 : index
    %swap3A_355 = arith.constant 28 : index
    %swap3A_356 = arith.constant 0 : index
    %swap3A_357 = vector.load %arg6[%swap3A_354, %swap3A_355, %swap3A_356] : memref<1x32x256xi32, #tpu.memory_space<vmem>>, vector<1x1x256xi32>
    %swap3A_358 = vector.shape_cast %swap3A_357 : vector<1x1x256xi32> to vector<256xi32>
    %swap3A_359 = vector.shape_cast %broadcast_in_dim3A_353 : vector<256xi32> to vector<1x1x256xi32>
    tpu.vector_store %arg6[%swap3A_354, %swap3A_355, %swap3A_356], %swap3A_359 {strides = array<i32>} : memref<1x32x256xi32, #tpu.memory_space<vmem>>, vector<1x1x256xi32>,
    %broadcast_in_dim3A_360 = arith.constant 0 : i32
    %broadcast_in_dim3A_361 = vector.broadcast %broadcast_in_dim3A_360 : i32 to vector<256xi32>
    %swap3A_362 = arith.constant 0 : index
    %swap3A_363 = arith.constant 29 : index
    %swap3A_364 = arith.constant 0 : index
    %swap3A_365 = vector.load %arg6[%swap3A_362, %swap3A_363, %swap3A_364] : memref<1x32x256xi32, #tpu.memory_space<vmem>>, vector<1x1x256xi32>
    %swap3A_366 = vector.shape_cast %swap3A_365 : vector<1x1x256xi32> to vector<256xi32>
    %swap3A_367 = vector.shape_cast %broadcast_in_dim3A_361 : vector<256xi32> to vector<1x1x256xi32>
    tpu.vector_store %arg6[%swap3A_362, %swap3A_363, %swap3A_364], %swap3A_367 {strides = array<i32>} : memref<1x32x256xi32, #tpu.memory_space<vmem>>, vector<1x1x256xi32>,
    %broadcast_in_dim3A_368 = arith.constant 0 : i32
    %broadcast_in_dim3A_369 = vector.broadcast %broadcast_in_dim3A_368 : i32 to vector<256xi32>
    %swap3A_370 = arith.constant 0 : index
    %swap3A_371 = arith.constant 30 : index
    %swap3A_372 = arith.constant 0 : index
    %swap3A_373 = vector.load %arg6[%swap3A_370, %swap3A_371, %swap3A_372] : memref<1x32x256xi32, #tpu.memory_space<vmem>>, vector<1x1x256xi32>
    %swap3A_374 = vector.shape_cast %swap3A_373 : vector<1x1x256xi32> to vector<256xi32>
    %swap3A_375 = vector.shape_cast %broadcast_in_dim3A_369 : vector<256xi32> to vector<1x1x256xi32>
    tpu.vector_store %arg6[%swap3A_370, %swap3A_371, %swap3A_372], %swap3A_375 {strides = array<i32>} : memref<1x32x256xi32, #tpu.memory_space<vmem>>, vector<1x1x256xi32>,
    %broadcast_in_dim3A_376 = arith.constant 0 : i32
    %broadcast_in_dim3A_377 = vector.broadcast %broadcast_in_dim3A_376 : i32 to vector<256xi32>
    %swap3A_378 = arith.constant 0 : index
    %swap3A_379 = arith.constant 31 : index
    %swap3A_380 = arith.constant 0 : index
    %swap3A_381 = vector.load %arg6[%swap3A_378, %swap3A_379, %swap3A_380] : memref<1x32x256xi32, #tpu.memory_space<vmem>>, vector<1x1x256xi32>
    %swap3A_382 = vector.shape_cast %swap3A_381 : vector<1x1x256xi32> to vector<256xi32>
    %swap3A_383 = vector.shape_cast %broadcast_in_dim3A_377 : vector<256xi32> to vector<1x1x256xi32>
    tpu.vector_store %arg6[%swap3A_378, %swap3A_379, %swap3A_380], %swap3A_383 {strides = array<i32>} : memref<1x32x256xi32, #tpu.memory_space<vmem>>, vector<1x1x256xi32>,
    return
  }
  func.func @transform_0(%arg0: i32, %arg1: i32) -> (i32, i32, i32) {
    %c0_i32 = arith.constant 0 : i32
    %c0_i32_0 = arith.constant 0 : i32
    return %arg0, %c0_i32, %arg1 : i32, i32, i32
  }
  func.func @transform_1(%arg0: i32, %arg1: i32) -> (i32, i32, i32) {
    %c0_i32 = arith.constant 0 : i32
    %c0_i32_0 = arith.constant 0 : i32
    %c0_i32_1 = arith.constant 0 : i32
    return %arg0, %c0_i32, %c0_i32_0 : i32, i32, i32
  }
  func.func @transform_2(%arg0: i32, %arg1: i32) -> (i32, i32, i32) {
    %c0_i32 = arith.constant 0 : i32
    %c0_i32_0 = arith.constant 0 : i32
    return %arg0, %c0_i32, %arg1 : i32, i32, i32
  }
  func.func @transform_3(%arg0: i32, %arg1: i32) -> (i32, i32, i32) {
    %c0_i32 = arith.constant 0 : i32
    %c0_i32_0 = arith.constant 0 : i32
    %c0_i32_1 = arith.constant 0 : i32
    return %arg0, %c0_i32, %c0_i32_0 : i32, i32, i32
  }
  func.func @transform_4(%arg0: i32, %arg1: i32) -> (i32, i32, i32) {
    %c0_i32 = arith.constant 0 : i32
    %c0_i32_0 = arith.constant 0 : i32
    return %arg0, %c0_i32, %arg1 : i32, i32, i32
  }
}

</mosaic_0001>

<sc_bundles>
// kernel: sparse-core-data-format-call.1.cloned.1.call-start
scs
called_computation.1_lowered:
.L_overlay_start_0:
0x0: {  	s1 =	sld [smem:$0x3FD9]  }
0x1: {  	s2 =	sld [smem:$0x3FFE];
	_ =	sdelay $0x1  }
0x2: {  	s3 =	srdreg.scid  }
0x3: {  	s0 =	sand.u32 $0x1, s3  }
0x4: {  	s17 =	sshll.u32 s0, $0xA;
	s1 =	sadd.s32 s2, s1  }
0x5: {  	s1 =	sadd.s32 s1, s17  }
0x6: {  	[smem:$0x3FAD] =	sst s1  }
0x7: {  	_ = 	snop  }
0x8: {  	(tm) =	ssettm $0x1  }
0x9: {  	s18 =	sld [smem:$0x3FFB];
	_ =	sdelay $0x3  }
0xa: {  	_ =	strace s18  }
0xb: {  	s1 =	sld [smem:$0x3FFC];
	_ =	sdelay $0x3  }
0xc: {  	_ =	strace s1  }
0xd: {  	s1 =	sld [smem:$0x3FFD];
	_ =	sdelay $0x3  }
0xe: {  	_ =	strace s1  }
0xf: {  	_ =	strace $0x8FFFFFFF  }
0x10: {  	s19 =	sld [smem:$0x3FDB];
	_ =	sdelay $0x1  }
0x11: {  	s20 =	simm.s32 $_scs_section_size  }
0x12: {  	s4 =	simm.s32 $_size__tile_overlayer_lowered;
	s5 =	simm.s32 $_tile_overlayer_lowered  }
0x13: {  	s23 =	simm.s32 $0x1BFF;
	s22 =	sshll.u32 s5, $0x1;
	s1 =	sadd.s32 s20, s19  }
0x14: {  	s6 =	simm.s32 $0x0;
	s21 =	sshll.u32 s4, $0x1;
	s4 =	sadd.s32 s22, s1  }
0x15: {  	[timem:s6], [sflag:s23] =	dma.local [hbm:s4], s21  }
0x16: {  	_ =	swait.ge [sflag:s23], s21  }
0x17: {  	s2 =	ssub.s32 $0x0, s21;
	[sflag:s23] =	ssyncset.done $0x0  }
0x18: {  	[sflag:s23] =	ssyncadd.s32 s2;
	_ =	sdelay $0x1  }
0x19: {  	s24 =	simm.s32 $0x1B8B  }
0x1a: {  	_ =	swait.ge [sflag:s24], $0x1  }
0x1b: {  	[sflag:s24] =	ssyncset.done $0x0  }
0x1c: {  	s26 =	simm.s32 $0x1B8E;
	s25 =	sld [smem:$0x3FFE];
	[sflag:s24] =	ssyncadd.s32 $0xFFFFFFFF  }
0x1d: {  	s27 =	simm.s32 $execute0_lowered;
	[smem:$0x3FD2] =	sst s26  }
0x1e: {  	s4 =	sshll.u32 s27, $0x1;
	_ =	strace $0x8000004C;
	[dreg:$0x1] =	wrdreg $0xFFFFFFFF  }
0x1f: {  	s28 =	simm.s32 $_size_execute0_lowered;
	s1 =	sadd.s32 s1, s4;
	[dreg:$0x0] =	wrdreg $0x0  }
0x20: {  	s4 =	sshll.u32 s28, $0x1;
	[dreg:$0x2] =	wrdreg s1  }
0x21: {  	[dreg:$0x3] =	wrdreg s4  }
0x22: {  	[dreg:$0x4] =	wrdreg $0xC0  }
0x23: {  	_ =	task [dreg:s6], $0x5FFFF  }
0x24: {  	[dreg:$0x1] =	wrdreg $0xFFFFFFFF  }
0x25: {  	[dreg:$0x0] =	wrdreg $0x60  }
0x26: {  	[dreg:$0x2] =	wrdreg s25  }
0x27: {  	[dreg:$0x3] =	wrdreg $0x9  }
0x28: {  	_ =	task.clear_ibuf [dreg:s6], $0x4FFFF;
	_ =	strace $0x9000004C  }
0x29: {  	s29 =	simm.s32 $0x9;
	_ =	strace $0x8000004E  }
0x2a: {  	_ =	swait.ge [sflag:s29], $0x1  }
0x2b: {  	[sflag:s29] =	ssyncadd.s32 $0xFFFFFFFF  }
0x2c: {  	_ =	strace $0x9000004E  }
0x2d: {  	_ =	sfence  }
0x2e: {  	s30 =	sld [smem:$0x0];
	_ =	sdelay $0x2  }
0x2f: {  	s31 =	sshll.u32 s3, $0xD;
	s3 =	sshrl.u32 s3, $0x2  }
0x30: {  	s2 =	sand.u32 $0x4000, s31;
	s1 =	sadd.s32 s3, s30  }
0x31: {  	s0 =	sor.u32 s2, s0;
	s1 =	sshll.u32 s1, $0x11  }
0x32: {  	s0 =	sor.u32 s1, s0  }
0x33: {  	s0 =	sadd.s32 $0x8F2B, s0  }
0x34: {  	[sflag:s0] =	ssyncadd.remote.s32 $0x1  }
0x35: {  	_ =	sfence.sel $0xFFFF  }
0x36: {  	[dreg:$0x0] =	wrdreg $0xFFFFFFFF;
	(pc) =	sbr.abs _section_cstart, $3  }
0x37: {  	[dreg:$0x1] =	wrdreg $0xFFFFFFFF  }
0x38: {  	_ =	task.clear_ibuf [dreg:s6], $0x2FFFF;
	_ =	strace $0x9FFFFFFF  }
0x39: {  	(tm) =	ssettm $0x7FFFFFFF  }
tec
execute0_lowered:
.L_overlay_start_1:
0x0: {  	(tag) =	ssettag $0x1  }
0x1: {  	s0 =	stileid.u32;
	s1 =	srdreg.scid  }
0x2: {  	s4 =	rddreg [dreg:$0x0];
	s5 =	simm.s32 $0x1;
	s8 =	simm.s32 $0x2  }
0x3: {  	s17 =	simm.s32 $0x0;
	s2 =	sshll.u32 s0, $0x5;
	s1 =	sshll.u32 s1, $0x9  }
0x4: {  	s9 =	simm.s32 $0x2000;
	s19 =	simm.s32 $0x0;
	s1 =	sor.u32 s2, s1  }
0x5: {  	s18 =	simm.s32 $0x0;
	s10 =	simm.s32 $0x0;
	s2 =	sand.u32 $0x380, s1  }
0x6: {  	s11 =	simm.s32 $0x0;
	s12 =	simm.s32 $0x0;
	s3 =	ssub.s32 $0x800, s2  }
0x7: {  	s14 =	simm.s32 $0x0;
	s7 =	sand.u32 $0x3, s0;
	s31 =	sand.u32 $0x380, s3  }
0x8: {  	s16 =	simm.s32 $0x0;
	s15 =	smov.u32 s7;
	p0 =	sne.s32 s31, $0x0  }
.Ltmp0:
0x9: {  	s6 =	sshrl.u32 s3, $0xA;
	s5 =	simm.s32 @!p0 $0x0;
	(pc) =	sbr.rel .LBB1_1-.Ltmp0, $4  }
0xa: {  	s1 =	rddreg [dreg:$0x1];
	_ =	strace $0x8000004D;
	s6 =	sadd.s32 s5, s6  }
0xb: {  	s13 =	smov.u32 s2;
	s5 =	simm.s32 $0x1;
	s6 =	smul.u32 $0x14, s6  }
0xc: {  	s3 =	sadd.s32 $0x49400, s4;
	s4 =	sadd.s32 $0x2C9400, s4;
	[sflag:s5] =	ssyncpa.u1 $0x0  }
0xd: {  	p0 =	por $0x0, $0x0;
	[sflag:s8] =	ssyncpa.u1 $0x0;
	s8 =	sor.u32 $0x1, s6  }
.LBB1_4:
0xe: {  	s24 =	sshra.s32 s24, $0x2;
	p1 =	sgt.s32 s11, $0x13  }
0xf: {  	s25 =	smov.u32 s11;
	s30 =	sshra.s32 s11, $0x1F;
	s26 =	smov.u32 s12  }
0x10: {  	s27 =	sshra.s32 s12, $0x1F;
	p3 =	sgt.s32 s10, $0x780;
	s29 =	sshra.s32 s10, $0x1F  }
0x11: {  	s23 =	sadd.s32 s24, s23;
	s25 =	simm.s32 @!p1 $0x13;
	s24 =	sand.u32 s30, s11  }
0x12: {  	p1 =	sgt.s32 s12, $0x3;
	s31 =	sand.u32 s27, s12;
	s24 =	ssub.s32 s25, s24  }
0x13: {  	s27 =	sand.u32 s29, s10;
	s26 =	simm.s32 @!p1 $0x3;
	s28 =	sadd.s32 $0xFFFFFFED, s24  }
0x14: {  	v5 =	vld [tilespmem:s21+$0xFFFFFFD0];
	[tilespmem:s22+$0x2040 ss:$0x81] =	vst.msk $0xffff, v4;
	s24 =	ssub.s32 $0x14, s24;
	s25 =	ssub.s32 s26, s31;
	s31 =	sshll.u32 s10, $0x2  }
0x15: {  	v58 =	vld [tilespmem:s21+$0xFFFFFFE0];
	[tilespmem:s22+$0x2850 ss:$0x81] =	vst.msk $0xffff, v3;
	p1 =	sgt.s32 s28, $0x0;
	s24 =	smul.u32 $0x7E, s24;
	s26 =	sadd.s32 $0xFFFFFFFD, s25  }
0x16: {  	v59 =	vld [tilespmem:s21+$0xFFFFFFF0];
	[tilespmem:s22+$0x3060 ss:$0x81] =	vst.msk $0xffff, v2;
	s28 =	sshll.u32 s12, $0x7;
	p2 =	sgt.s32 s26, $0x0;
	s26 =	smov.u32 s10  }
0x17: {  	v60 =	vld [tilespmem:s21+$0x0];
	[tilespmem:s22+$0x0 ss:$0x81] =	vst.msk $0xffff, v0;
	s25 =	ssub.s32 $0x4, s25;
	s29 =	sand.u32 $0x180, s28;
	s26 =	simm.s32 @!p3 $0x780  }
0x18: {  	v61 =	vld [tilespmem:s21+$0x10];
	[tilespmem:s23+$0x3870 ss:$0x81] =	vst.msk $0xffff, v1;
	s24 =	simm.s32 @p1 $0x0;
	s25 =	simm.s32 @p2 $0x0;
	s22 =	ssub.s32 s26, s27  }
0x19: {  	v62 =	vld [tilespmem:s21+$0x20];
	[tilespmem:s23+$0x810 ss:$0x81] =	vst.msk $0xffff, v5;
	s26 =	sand.u32 $0x78, s10;
	s24 =	smul.u32 s25, s24;
	s27 =	sshrl.u32 s10, $0x1  }
0x1a: {  	v63 =	vld [tilespmem:s21+$0xFFFFFFC0];
	[tilespmem:s23+$0x1020 ss:$0x81] =	vst.msk $0xffff, v58;
	s30 =	sadd.s32 $0xFFFFF880, s22;
	s22 =	ssub.s32 $0x800, s22;
	s21 =	sor.u32 s29, s26  }
0x1b: {  	[tilespmem:s23+$0x1830 ss:$0x81] =	vst.msk $0xffff, v59;
	p1 =	sgt.s32 s30, $0x7F;
	s30 =	sand.u32 $0x600, s31;
	s31 =	smul.u32 $0x1F800, s11  }
0x1c: {  	[tilespmem:s23+$0x2040 ss:$0x81] =	vst.msk $0xffff, v60;
	s29 =	sand.u32 $0x7, s10;
	s22 =	simm.s32 @p1 $0x0;
	s21 =	sor.u32 s30, s21  }
0x1d: {  	[tilespmem:s23+$0x2850 ss:$0x81] =	vst.msk $0xffff, v61;
	s22 =	smul.u32 s22, s24;
	s24 =	sand.u32 $0x300, s27;
	s28 =	sadd.s32 s4, s31  }
0x1e: {  	[tilespmem:s23+$0x3060 ss:$0x81] =	vst.msk $0xffff, v62;
	s30 =	sshll.u32 s29, $0x12;
	s21 =	sshrl.u32 s21, $0x3;
	s24 =	sadd.s32 s24, s28  }
0x1f: {  	[tilespmem:s23+$0x0 ss:$0x81] =	vst.msk $0xffff, v63;
	s31 =	sor.u32 $0x80, s30;
	s22 =	sand.u32 $0x3FFFFFFE, s22;
	s21 =	sadd.s32 s21, s24  }
0x20: {  	[hbm4b:s21+s31] =	stream.strided.scatter [tilespmem:s20], [sflag:$0x2], s22, s9, s31, $0x20;
	[tilespmem:$0x10100] =	vst v63  }
.LBB1_5:
0x21: {  	p1 =	slt.u32 s16, $0x2  }
0x22: {  	p2 =	sgt.s32 @!p1 s19, $0x13  }
0x23: {  	s20 =	smov.u32 s19;
	s21 =	sshra.s32 @!p1 s19, $0x1F;
	p2 =	por !p2, p1  }
0x24: {  	s19 =	sand.u32 @!p1 s21, s19;
	s20 =	simm.s32 @p2 $0x13  }
0x25: {  	p2 =	sgt.s32 @!p1 s18, $0x3;
	s19 =	ssub.s32 @!p1 s20, s19  }
0x26: {  	s21 =	sshra.s32 @!p1 s18, $0x1F;
	p2 =	por !p2, p1;
	s20 =	sadd.s32 @!p1 $0xFFFFFFED, s19  }
0x27: {  	s19 =	ssub.s32 @!p1 $0x14, s19;
	p3 =	sgt.s32 @!p1 s20, $0x0;
	s20 =	smov.u32 s18  }
0x28: {  	s18 =	sand.u32 @!p1 s21, s18;
	s19 =	smul.u32 @!p1 $0x7E, s19;
	s20 =	simm.s32 @p2 $0x3  }
0x29: {  	s21 =	smov.u32 s17;
	p2 =	sgt.s32 @!p1 s17, $0x780;
	s18 =	ssub.s32 @!p1 s20, s18  }
0x2a: {  	p3 =	por !p3, p1;
	p2 =	por !p2, p1;
	s20 =	sadd.s32 @!p1 $0xFFFFFFFD, s18  }
0x2b: {  	s21 =	simm.s32 @p2 $0x780;
	p2 =	sgt.s32 @!p1 s20, $0x0;
	s20 =	sshra.s32 @!p1 s17, $0x1F  }
0x2c: {  	s18 =	ssub.s32 @!p1 $0x4, s18;
	p2 =	por !p2, p1;
	s17 =	sand.u32 @!p1 s20, s17  }
0x2d: {  	s19 =	simm.s32 @!p3 $0x0;
	s18 =	simm.s32 @!p2 $0x0;
	s17 =	ssub.s32 @!p1 s21, s17  }
0x2e: {  	s20 =	sadd.s32 $0x400, s13;
	s18 =	smul.u32 @!p1 s18, s19;
	s19 =	sadd.s32 @!p1 $0xFFFFF880, s17  }
0x2f: {  	p3 =	sgt.s32 s20, $0x7FF;
	p2 =	sgt.s32 @!p1 s19, $0x7F;
	s19 =	simm.s32 $0x1  }
0x30: {  	s17 =	ssub.s32 @!p1 $0x800, s17;
	p2 =	por !p2, p1;
	s19 =	simm.s32 @!p3 $0x0  }
0x31: {  	s22 =	smov.u32 s15;
	s17 =	simm.s32 @!p2 $0x0;
	s21 =	sadd.s32 s19, s14  }
0x32: {  	s17 =	smul.u32 @!p1 s17, s18;
	p2 =	sgt.s32 s21, $0x13;
	s18 =	sadd.s32 $0x4, s15  }
0x33: {  	p0 =	por !p0, !p0;
	s23 =	simm.s32 @!p1 $0x2;
	s22 =	smov.u32 @p2 s18  }
0x34: {  	s20 =	smov.u32 @p3 s2;
	s21 =	simm.s32 @p2 $0x0;
	p2 =	sgt.s32 s22, $0x3  }
0x35: {  	s19 =	smov.u32 s11;
	s22 =	smov.u32 @p2 s7;
	p2 =	sne.s32 s16, s8  }
.Ltmp1:
0x36: {  	s11 =	smov.u32 s14;
	s18 =	smov.u32 s12;
	(pc) =	sbr.rel @!p2 .LBB1_6-.Ltmp1, $4  }
0x37: {  	s12 =	smov.u32 s15;
	s17 =	sand.u32 @!p1 $0x3FFFFFFE, s17;
	s14 =	smov.u32 s21  }
0x38: {  	_ =	swait.ge @!p1 [sflag:s23], s17;
	s24 =	ssub.s32 @!p1 $0x0, s17;
	s17 =	smov.u32 s10  }
0x39: {  	s16 =	sadd.s32 $0x1, s16;
	s10 =	smov.u32 s13;
	[sflag:s23] =	ssyncset.done @!p1 $0x0  }
0x3a: {  	s13 =	smov.u32 s20;
	s15 =	smov.u32 s22;
	[sflag:s23] =	ssyncadd.s32 @!p1 s24  }
.LBB1_1:
0x3b: {  	p1 =	sge.u32 s16, s6  }
0x3c: {  	s20 =	smul.u32 @!p1 $0xA0000, s15  }
0x3d: {  	s31 =	sadd.s32 $0xFFFFFFFF, s16;
	s21 =	sxor.u32 @!p1 $0xFFFFFFFF, s16  }
0x3e: {  	s22 =	sshll.u32 @!p1 s14, $0xF;
	s23 =	sshll.u32 @!p1 s13, $0x4;
	s20 =	sadd.s32 @!p1 s3, s20  }
0x3f: {  	s21 =	sshll.u32 @!p1 s21, $0xE;
	s23 =	sand.u32 @!p1 $0x7FF0, s23;
	s20 =	sadd.s32 @!p1 s22, s20  }
0x40: {  	s21 =	sand.u32 @!p1 $0x4000, s21;
	s22 =	simm.s32 @!p1 $0x0;
	s20 =	sadd.s32 @!p1 s23, s20  }
0x41: {  	[tilespmem:s21], [sflag:$0x1] =	stream.linear.gather @!p1 [hbm4b:s20+s22], $0x4000, $0x38;
	[tilespmem:$0x10100] =	vst v63  }
0x42: {  	p1 =	sge.u32 s31, s6  }
.Ltmp2:
0x43: {  	_ = 	snop;
	(pc) =	sbr.rel @p1 .LBB1_5-.Ltmp2, $1  }
0x44: {  	_ =	sdelay $0x3  }
0x45: {  	s20 =	simm.s32 $0x1  }
0x46: {  	_ =	swait.ge [sflag:s5], $0x4000;
	s20 =	simm.s32 @!p0 $0x0  }
0x47: {  	[sflag:s5] =	ssyncset.done $0x0;
	s21 =	sshll.u32 s20, $0xE  }
0x48: {  	[sflag:s5] =	ssyncadd.s32 $0xFFFFC000;
	s21 =	sor.u32 $0x40, s21  }
0x49: {  	s20 =	smul.u32 $0x10200, s20;
	v0 =	vld [tilespmem:s21+$0x30]  }
0x4a: {  	v1 =	vld [tilespmem:s21+$0xFFFFFFD0]  }
0x4b: {  	s20 =	sshrl.u32 s20, $0x2;
	v5 =	vld [tilespmem:s21+$0xFFFFFFE0]  }
0x4c: {  	v6 =	vld [tilespmem:s21+$0xFFFFFFF0];
	s23 =	sor.u32 $0x8000, s20  }
0x4d: {  	s31 =	sand.u32 $0x1, s16;
	v4 =	vld [tilespmem:s21+$0x0];
	s22 =	sadd.s32 $0x0, s23  }
0x4e: {  	v3 =	vld [tilespmem:s21+$0x10];
	s20 =	smul.u32 $0x10200, s31;
	[tilespmem:s22+$0x3870 ss:$0x81] =	vst.msk $0xffff, v0  }
0x4f: {  	v2 =	vld [tilespmem:s21+$0x20];
	[tilespmem:s22+$0x810 ss:$0x81] =	vst.msk $0xffff, v1  }
0x50: {  	s20 =	sshrl.u32 s20, $0x2;
	v0 =	vld [tilespmem:s21+$0xFFFFFFC0];
	[tilespmem:s22+$0x1020 ss:$0x81] =	vst.msk $0xffff, v5;
	s21 =	sadd.s32 $0x80, s21  }
0x51: {  	s24 =	simm.s32 $0x4;
	s25 =	simm.s32 $0x8;
	s20 =	sor.u32 $0x8000, s20;
	[tilespmem:s22+$0x1830 ss:$0x81] =	vst.msk $0xffff, v6;
	v1 =	vld [tilespmem:s21+$0x30]  }
.LBB1_3:
0x52: {  	p1 =	sne.s32 s25, $0x1FC;
	v5 =	vld [tilespmem:s21+$0xFFFFFFD0];
	[tilespmem:s22+$0x2040 ss:$0x81] =	vst.msk $0xffff, v4  }
0x53: {  	v6 =	vld [tilespmem:s21+$0xFFFFFFE0];
	[tilespmem:s22+$0x2850 ss:$0x81] =	vst.msk $0xffff, v3  }
0x54: {  	s26 =	sshra.s32 s24, $0x2;
	s24 =	smov.u32 s25;
	v7 =	vld [tilespmem:s21+$0xFFFFFFF0];
	[tilespmem:s22+$0x3060 ss:$0x81] =	vst.msk $0xffff, v2  }
.Ltmp3:
0x55: {  	v4 =	vld [tilespmem:s21+$0x0];
	[tilespmem:s22+$0x0 ss:$0x81] =	vst.msk $0xffff, v0;
	s22 =	sadd.s32 s26, s23;
	(pc) =	sbr.rel @p1 .LBB1_3-.Ltmp3, $4  }
0x56: {  	v3 =	vld [tilespmem:s21+$0x10];
	[tilespmem:s22+$0x3870 ss:$0x81] =	vst.msk $0xffff, v1  }
0x57: {  	[tilespmem:s22+$0x810 ss:$0x81] =	vst.msk $0xffff, v5;
	v2 =	vld [tilespmem:s21+$0x20]  }
0x58: {  	v0 =	vld [tilespmem:s21+$0xFFFFFFC0];
	[tilespmem:s22+$0x1020 ss:$0x81] =	vst.msk $0xffff, v6;
	s21 =	sadd.s32 $0x80, s21  }
0x59: {  	s25 =	sadd.s32 $0x4, s25;
	v1 =	vld [tilespmem:s21+$0x30];
	[tilespmem:s22+$0x1830 ss:$0x81] =	vst.msk $0xffff, v7  }
.Ltmp4:
0x5a: {  	_ = 	snop;
	(pc) =	sbr.rel .LBB1_4-.Ltmp4, $1  }
0x5b: {  	_ =	sdelay $0x3  }
.LBB1_6:
0x5c: {  	_ =	sfence.sel $0x180000  }
0x5d: {  	s2 =	simm.s32 $0x1;
	[bflag:$0x0] =	sbarrier.arrive $0xFFFF  }
0x5e: {  	s31 =	simm.s32 $0x2;
	[sflag:s2] =	ssyncpa.u1 $0x1  }
0x5f: {  	[sflag:s31] =	ssyncpa.u1 $0x1  }
0x60: {  	p0 =	sne.s32 s0, $0x0;
	_ =	strace $0x9000004D  }
0x61: {  	s0 =	sadd.s32 @!p0 $0x100000, s1;
	[bflag:$0x2] =	sbarrier.arrive $0xFFFF  }
0x62: {  	[sflag:s0] =	ssyncadd.tile.s32 @!p0 $0x1;
	_ =	shalt  }
.Lfunc_end1:
_tile_overlayer_lowered:
.L_overlay_start_2:
0x63: {  	(tag) =	ssettag $0x2  }
0x64: {  	s0 =	rddreg [dreg:$0x0];
	s2 =	stileid.u32  }
0x65: {  	s1 =	rddreg [dreg:$0x1];
	p0 =	sne.s32 s2, $0x0  }
0x66: {  	s3 =	rddreg [dreg:$0x2];
	[bflag:$0x3] =	sbarrier.arrive $0xFFFF;
	s2 =	simm.s32 @!p0 $0x1C01  }
0x67: {  	[timem:s3], [sflag:s2] =	dma.local @!p0 [hbm:s0], s1  }
0x68: {  	s0 =	simm.s32 @!p0 $0x1  }
0x69: {  	_ =	swait.ge @!p0 [sflag:s0], s1  }
0x6a: {  	s1 =	ssub.s32 @!p0 $0x0, s1;
	[sflag:s0] =	ssyncset.done @!p0 $0x0  }
0x6b: {  	[sflag:s0] =	ssyncadd.s32 @!p0 s1  }
0x6c: {  	[bflag:$0x3] =	sbarrier.arrive $0xFFFF  }
0x6d: {  	_ =	shalt  }

// kernel: sparse-core-data-format-call.2.cloned.1.call-start
scs
called_computation.2_lowered:
.L_overlay_start_0:
0x0: {  	s1 =	sld [smem:$0x3FD9]  }
0x1: {  	s2 =	sld [smem:$0x3FFE];
	_ =	sdelay $0x1  }
0x2: {  	s3 =	srdreg.scid  }
0x3: {  	s0 =	sand.u32 $0x1, s3  }
0x4: {  	s17 =	sshll.u32 s0, $0xA;
	s1 =	sadd.s32 s2, s1  }
0x5: {  	s1 =	sadd.s32 s1, s17  }
0x6: {  	[smem:$0x3FAD] =	sst s1  }
0x7: {  	_ = 	snop  }
0x8: {  	(tm) =	ssettm $0x1  }
0x9: {  	s18 =	sld [smem:$0x3FFB];
	_ =	sdelay $0x3  }
0xa: {  	_ =	strace s18  }
0xb: {  	s1 =	sld [smem:$0x3FFC];
	_ =	sdelay $0x3  }
0xc: {  	_ =	strace s1  }
0xd: {  	s1 =	sld [smem:$0x3FFD];
	_ =	sdelay $0x3  }
0xe: {  	_ =	strace s1  }
0xf: {  	_ =	strace $0x8FFFFFFF  }
0x10: {  	s19 =	sld [smem:$0x3FDB];
	_ =	sdelay $0x1  }
0x11: {  	s20 =	simm.s32 $_scs_section_size  }
0x12: {  	s4 =	simm.s32 $_size__tile_overlayer_lowered;
	s5 =	simm.s32 $_tile_overlayer_lowered  }
0x13: {  	s23 =	simm.s32 $0x1BFF;
	s22 =	sshll.u32 s5, $0x1;
	s1 =	sadd.s32 s20, s19  }
0x14: {  	s6 =	simm.s32 $0x0;
	s21 =	sshll.u32 s4, $0x1;
	s4 =	sadd.s32 s22, s1  }
0x15: {  	[timem:s6], [sflag:s23] =	dma.local [hbm:s4], s21  }
0x16: {  	_ =	swait.ge [sflag:s23], s21  }
0x17: {  	s2 =	ssub.s32 $0x0, s21;
	[sflag:s23] =	ssyncset.done $0x0  }
0x18: {  	[sflag:s23] =	ssyncadd.s32 s2;
	_ =	sdelay $0x1  }
0x19: {  	s24 =	simm.s32 $0x1B8B  }
0x1a: {  	_ =	swait.ge [sflag:s24], $0x1  }
0x1b: {  	[sflag:s24] =	ssyncset.done $0x0  }
0x1c: {  	s26 =	simm.s32 $0x1B8E;
	s25 =	sld [smem:$0x3FFE];
	[sflag:s24] =	ssyncadd.s32 $0xFFFFFFFF  }
0x1d: {  	s27 =	simm.s32 $execute0_lowered;
	[smem:$0x3FD2] =	sst s26  }
0x1e: {  	s4 =	sshll.u32 s27, $0x1;
	_ =	strace $0x80000049;
	[dreg:$0x1] =	wrdreg $0xFFFFFFFF  }
0x1f: {  	s28 =	simm.s32 $_size_execute0_lowered;
	s1 =	sadd.s32 s1, s4;
	[dreg:$0x0] =	wrdreg $0x0  }
0x20: {  	s4 =	sshll.u32 s28, $0x1;
	[dreg:$0x2] =	wrdreg s1  }
0x21: {  	[dreg:$0x3] =	wrdreg s4  }
0x22: {  	[dreg:$0x4] =	wrdreg $0xC0  }
0x23: {  	_ =	task [dreg:s6], $0x5FFFF  }
0x24: {  	[dreg:$0x1] =	wrdreg $0xFFFFFFFF  }
0x25: {  	[dreg:$0x0] =	wrdreg $0x60  }
0x26: {  	[dreg:$0x2] =	wrdreg s25  }
0x27: {  	[dreg:$0x3] =	wrdreg $0x9  }
0x28: {  	_ =	task.clear_ibuf [dreg:s6], $0x4FFFF;
	_ =	strace $0x90000049  }
0x29: {  	s29 =	simm.s32 $0x9;
	_ =	strace $0x8000004B  }
0x2a: {  	_ =	swait.ge [sflag:s29], $0x1  }
0x2b: {  	[sflag:s29] =	ssyncadd.s32 $0xFFFFFFFF  }
0x2c: {  	_ =	strace $0x9000004B  }
0x2d: {  	_ =	sfence  }
0x2e: {  	s30 =	sld [smem:$0x0];
	_ =	sdelay $0x2  }
0x2f: {  	s31 =	sshll.u32 s3, $0xD;
	s3 =	sshrl.u32 s3, $0x2  }
0x30: {  	s2 =	sand.u32 $0x4000, s31;
	s1 =	sadd.s32 s3, s30  }
0x31: {  	s0 =	sor.u32 s2, s0;
	s1 =	sshll.u32 s1, $0x11  }
0x32: {  	s0 =	sor.u32 s1, s0  }
0x33: {  	s0 =	sadd.s32 $0x8F2B, s0  }
0x34: {  	[sflag:s0] =	ssyncadd.remote.s32 $0x1  }
0x35: {  	_ =	sfence.sel $0xFFFF  }
0x36: {  	[dreg:$0x0] =	wrdreg $0xFFFFFFFF;
	(pc) =	sbr.abs _section_cstart, $3  }
0x37: {  	[dreg:$0x1] =	wrdreg $0xFFFFFFFF  }
0x38: {  	_ =	task.clear_ibuf [dreg:s6], $0x2FFFF;
	_ =	strace $0x9FFFFFFF  }
0x39: {  	(tm) =	ssettm $0x7FFFFFFF  }
tec
execute0_lowered:
.L_overlay_start_1:
0x0: {  	(tag) =	ssettag $0x1  }
0x1: {  	s0 =	stileid.u32;
	s1 =	srdreg.scid  }
0x2: {  	s7 =	rddreg [dreg:$0x0];
	s9 =	simm.s32 $0x2;
	s18 =	simm.s32 $0x0  }
0x3: {  	s10 =	simm.s32 $0x100;
	s2 =	sshll.u32 s0, $0x6;
	s1 =	sshll.u32 s1, $0xA  }
0x4: {  	s11 =	simm.s32 $0x2000;
	s30 =	sshll.u32 s0, $0x1;
	s1 =	sor.u32 s2, s1  }
0x5: {  	s17 =	simm.s32 $0x0;
	s2 =	sand.u32 $0x2, s30;
	s1 =	sand.u32 $0x780, s1  }
0x6: {  	s19 =	simm.s32 $0x0;
	s3 =	ssub.s32 $0x4, s2;
	s4 =	ssub.s32 $0x800, s1  }
0x7: {  	s12 =	simm.s32 $0x0;
	s5 =	sshrl.u32 s3, $0x2;
	s6 =	sand.u32 $0x780, s4  }
0x8: {  	s3 =	sshrl.u32 s3, $0x1;
	p0 =	sne.s32 s6, $0x0;
	s6 =	simm.s32 $0x1  }
0x9: {  	s3 =	sand.u32 $0x1, s3;
	s4 =	sshrl.u32 s4, $0xB;
	s6 =	simm.s32 @!p0 $0x0  }
0xa: {  	s13 =	simm.s32 $0x0;
	s5 =	sadd.s32 s5, s3;
	s4 =	sadd.s32 s6, s4  }
0xb: {  	s14 =	simm.s32 $0x0;
	s16 =	simm.s32 $0x0;
	s5 =	smul.u32 s4, s5  }
.Ltmp0:
0xc: {  	s15 =	smov.u32 s2;
	s31 =	sshll.u32 s1, $0x4;
	(pc) =	sbr.rel .LBB1_1-.Ltmp0, $4  }
0xd: {  	s8 =	sadd.s32 s31, s7;
	s3 =	rddreg [dreg:$0x1];
	_ =	strace $0x8000004A  }
0xe: {  	p0 =	por $0x0, $0x0;
	s4 =	simm.s32 $0x1;
	s5 =	smul.u32 $0x14, s5  }
0xf: {  	s6 =	sadd.s32 $0x2A5400, s7;
	s7 =	sadd.s32 $0x25400, s8;
	[sflag:s4] =	ssyncpa.u1 $0x0  }
0x10: {  	s8 =	sadd.s32 $0xC5400, s8;
	[sflag:s9] =	ssyncpa.u1 $0x0;
	s9 =	sor.u32 $0x1, s5  }
.LBB1_7:
0x11: {  	p1 =	slt.u32 s16, $0x2  }
0x12: {  	p2 =	sgt.s32 @!p1 s18, $0x13  }
0x13: {  	s19 =	smov.u32 s18;
	s20 =	sshra.s32 @!p1 s18, $0x1F;
	p2 =	por !p2, p1  }
0x14: {  	s21 =	sshra.s32 @!p1 s17, $0x1F;
	s19 =	simm.s32 @p2 $0x13;
	p2 =	sgt.s32 @!p1 s17, $0x2  }
0x15: {  	s18 =	sand.u32 @!p1 s20, s18;
	s20 =	smov.u32 s17;
	p2 =	por !p2, p1  }
0x16: {  	s17 =	sand.u32 @!p1 s21, s17;
	s18 =	ssub.s32 @!p1 s19, s18;
	s20 =	simm.s32 @p2 $0x2  }
0x17: {  	s21 =	smov.u32 s15;
	s19 =	sadd.s32 @!p1 $0xFFFFFFED, s18;
	s17 =	ssub.s32 @!p1 s20, s17  }
0x18: {  	s18 =	ssub.s32 @!p1 $0x14, s18;
	p2 =	sgt.s32 @!p1 s19, $0x0;
	s17 =	sadd.s32 @!p1 $0xFFFFFFFE, s17  }
0x19: {  	s18 =	smul.u32 @!p1 $0x3F, s18;
	p3 =	sgt.s32 @!p1 s17, $0x1;
	s17 =	sshll.u32 @!p1 s17, $0x7  }
0x1a: {  	p2 =	por !p2, p1;
	s17 =	ssub.s32 @!p1 $0x100, s17;
	p3 =	por !p3, p1  }
0x1b: {  	s20 =	sadd.s32 $0x1, s14;
	s18 =	simm.s32 @!p2 $0x0;
	s17 =	simm.s32 @!p3 $0x0  }
0x1c: {  	p2 =	sgt.s32 s20, $0x13;
	s17 =	smul.u32 @!p1 s18, s17;
	s18 =	sadd.s32 $0x4, s15  }
0x1d: {  	s21 =	smov.u32 @p2 s18  }
0x1e: {  	s20 =	simm.s32 @p2 $0x0;
	p2 =	sgt.s32 s21, $0x3  }
0x1f: {  	p0 =	por !p0, !p0;
	s21 =	smov.u32 @p2 s2;
	p2 =	sne.s32 s16, s9  }
.Ltmp1:
0x20: {  	s19 =	simm.s32 @!p1 $0x2;
	s18 =	smov.u32 s12;
	(pc) =	sbr.rel @!p2 .LBB1_8-.Ltmp1, $4  }
0x21: {  	s12 =	smov.u32 s14;
	s14 =	smov.u32 s20;
	s17 =	sand.u32 @!p1 $0x3FFFFF80, s17  }
0x22: {  	_ =	swait.ge @!p1 [sflag:s19], s17;
	s22 =	ssub.s32 @!p1 $0x0, s17;
	s17 =	smov.u32 s13  }
0x23: {  	s16 =	sadd.s32 $0x1, s16;
	s13 =	smov.u32 s15;
	[sflag:s19] =	ssyncset.done @!p1 $0x0  }
0x24: {  	s15 =	smov.u32 s21;
	[sflag:s19] =	ssyncadd.s32 @!p1 s22;
	s19 =	smov.u32 s1  }
.LBB1_1:
0x25: {  	p1 =	sge.u32 s16, s5  }
0x26: {  	s21 =	smul.u32 @!p1 $0xA0000, s15  }
0x27: {  	s20 =	sxor.u32 @!p1 $0xFFFFFFFF, s16;
	s22 =	sshll.u32 @!p1 s14, $0xF;
	s24 =	simm.s32 @!p1 $0x40  }
0x28: {  	s25 =	simm.s32 @!p1 $0x80;
	s20 =	sshll.u32 @!p1 s20, $0xE;
	s23 =	sadd.s32 @!p1 s21, s22  }
0x29: {  	s20 =	sand.u32 @!p1 $0x4000, s20;
	s21 =	sadd.s32 @!p1 s21, s8;
	s23 =	sadd.s32 @!p1 s7, s23  }
0x2a: {  	[tilespmem:s20], [sflag:$0x1] =	stream.strided.gather @!p1 [hbm4b:s23+s24], $0x2000, s25, s24, $0x38;
	[tilespmem:$0x10100] =	vst v63  }
0x2b: {  	s31 =	sadd.s32 $0xFFFFFFFF, s16;
	s21 =	sadd.s32 @!p1 s22, s21;
	s20 =	sor.u32 @!p1 $0x2000, s20  }
0x2c: {  	[tilespmem:s20], [sflag:$0x1] =	stream.strided.gather @!p1 [hbm4b:s21+s24], $0x2000, s25, s24, $0x38;
	[tilespmem:$0x10100] =	vst v63  }
0x2d: {  	p1 =	sge.u32 s31, s5  }
.Ltmp2:
0x2e: {  	_ = 	snop;
	(pc) =	sbr.rel @p1 .LBB1_7-.Ltmp2, $1  }
0x2f: {  	_ =	sdelay $0x3  }
0x30: {  	s20 =	simm.s32 $0x1;
	s22 =	sand.u32 $0x1, s16  }
0x31: {  	_ =	swait.ge [sflag:s4], $0x4000;
	s20 =	simm.s32 @!p0 $0x0;
	s22 =	smul.u32 $0x10200, s22  }
0x32: {  	p2 =	por $0x1, $0x1;
	[sflag:s4] =	ssyncset.done $0x0;
	s21 =	smul.u32 $0x10200, s20  }
0x33: {  	s23 =	sshll.u32 s20, $0x10;
	[sflag:s4] =	ssyncadd.s32 $0xFFFFC000;
	s30 =	sshrl.u32 s22, $0x2  }
0x34: {  	s31 =	sshrl.u32 s23, $0x2;
	s23 =	simm.s32 $0x0;
	s21 =	sshrl.u32 s21, $0x2  }
0x35: {  	s20 =	sor.u32 $0x8000, s30;
	s22 =	sadd.s32 $0x20, s31;
	s21 =	sor.u32 $0x8000, s21  }
.LBB1_3:
0x36: {  	s24 =	sshll.u32 s23, $0xD  }
0x37: {  	s24 =	sand.u32 $0x3FFFE000, s24  }
0x38: {  	s26 =	sadd.s32 s24, s22  }
0x39: {  	s31 =	smul.u32 $0x204, s23;
	v3 =	vld [tilespmem:s26+$0x10]  }
0x3a: {  	v1 =	vld [tilespmem:s26+$0xFFFFFFF0]  }
0x3b: {  	s23 =	sshra.s32 s31, $0x2;
	v0 =	vld [tilespmem:s26+$0x0]  }
0x3c: {  	s23 =	sadd.s32 s23, s21;
	v2 =	vld [tilespmem:s26+$0xFFFFFFE0]  }
0x3d: {  	s24 =	sadd.s32 $0x0, s23  }
0x3e: {  	p1 =	por p2, p2;
	s25 =	simm.s32 $0x4;
	s26 =	sadd.s32 $0x40, s26;
	[tilespmem:s24+$0x3060 ss:$0x102] =	vst.msk $0xffff, v3  }
.LBB1_4:
0x3f: {  	v3 =	vld [tilespmem:s26+$0x10];
	p2 =	sne.s32 s25, $0x1FC;
	[tilespmem:s24+$0x1020 ss:$0x102] =	vst.msk $0xffff, v1;
	s27 =	smov.u32 s25;
	s25 =	sadd.s32 $0x4, s25  }
.Ltmp3:
0x40: {  	v1 =	vld [tilespmem:s26+$0xFFFFFFF0];
	[tilespmem:s24+$0x2040 ss:$0x102] =	vst.msk $0xffff, v0;
	(pc) =	sbr.rel @p2 .LBB1_4-.Ltmp3, $4  }
0x41: {  	v0 =	vld [tilespmem:s26+$0x0];
	[tilespmem:s24+$0x0 ss:$0x102] =	vst.msk $0xffff, v2  }
0x42: {  	s24 =	sshra.s32 s27, $0x2;
	v2 =	vld [tilespmem:s26+$0xFFFFFFE0]  }
0x43: {  	s24 =	sadd.s32 s24, s23  }
0x44: {  	s26 =	sadd.s32 $0x40, s26;
	[tilespmem:s24+$0x3060 ss:$0x102] =	vst.msk $0xffff, v3  }
.Ltmp4:
0x45: {  	(pc) =	sbr.rel @p1 .LBB1_3-.Ltmp4, $4  }
0x46: {  	_ = 	snop  }
0x47: {  	[tilespmem:s24+$0x1020 ss:$0x102] =	vst.msk $0xffff, v1  }
0x48: {  	[tilespmem:s24+$0x2040 ss:$0x102] =	vst.msk $0xffff, v0  }
0x49: {  	s23 =	simm.s32 $0x1;
	p2 =	por $0x0, $0x0;
	[tilespmem:s24+$0x0 ss:$0x102] =	vst.msk $0xffff, v2  }
0x4a: {  	s21 =	sshll.u32 s19, $0x2;
	s22 =	sshll.u32 s13, $0x7;
	p1 =	sgt.s32 s12, $0x13  }
0x4b: {  	s23 =	smov.u32 s12;
	s24 =	sshra.s32 s12, $0x1F;
	s25 =	smov.u32 s13  }
0x4c: {  	s26 =	sshra.s32 s13, $0x1F;
	s29 =	smul.u32 $0xFC00, s12;
	s22 =	sand.u32 $0x180, s22  }
0x4d: {  	s21 =	sand.u32 $0x600, s21;
	s23 =	simm.s32 @!p1 $0x13;
	p1 =	sgt.s32 s13, $0x2  }
0x4e: {  	s24 =	sand.u32 s24, s12;
	s26 =	sand.u32 s26, s13;
	s25 =	simm.s32 @!p1 $0x2  }
0x4f: {  	s21 =	sor.u32 s22, s21;
	s23 =	ssub.s32 s23, s24;
	s27 =	ssub.s32 s25, s26  }
0x50: {  	s24 =	sadd.s32 $0xFFFFFFED, s23;
	s22 =	ssub.s32 $0x14, s23;
	s23 =	sadd.s32 $0xFFFFFFFE, s27  }
0x51: {  	s30 =	sshrl.u32 s19, $0x1;
	s22 =	smul.u32 $0x3F, s22;
	s28 =	sshll.u32 s23, $0x7  }
0x52: {  	p1 =	sgt.s32 s24, $0x0;
	p2 =	sgt.s32 s23, $0x1;
	s23 =	ssub.s32 $0x100, s28  }
.Ltmp5:
0x53: {  	s22 =	simm.s32 @p1 $0x0;
	s23 =	simm.s32 @p2 $0x0;
	(pc) =	sbr.rel .LBB1_7-.Ltmp5, $4  }
0x54: {  	s19 =	sand.u32 $0x300, s30;
	s31 =	sadd.s32 s6, s29;
	s22 =	smul.u32 s22, s23  }
0x55: {  	s21 =	sshrl.u32 s21, $0x3;
	s19 =	sadd.s32 s19, s31  }
0x56: {  	s19 =	sadd.s32 s21, s19;
	s22 =	sand.u32 $0x3FFFFF80, s22  }
0x57: {  	[hbm4b:s19+s10] =	stream.strided.scatter [tilespmem:s20], [sflag:$0x2], s22, s11, s10, $0x20;
	[tilespmem:$0x10100] =	vst v63  }
.LBB1_8:
0x58: {  	_ =	sfence.sel $0x180000  }
0x59: {  	s1 =	simm.s32 $0x1;
	[bflag:$0x0] =	sbarrier.arrive $0xFFFF  }
0x5a: {  	s31 =	simm.s32 $0x2;
	[sflag:s1] =	ssyncpa.u1 $0x1  }
0x5b: {  	[sflag:s31] =	ssyncpa.u1 $0x1  }
0x5c: {  	p0 =	sne.s32 s0, $0x0;
	_ =	strace $0x9000004A  }
0x5d: {  	s0 =	sadd.s32 @!p0 $0x100000, s3;
	[bflag:$0x2] =	sbarrier.arrive $0xFFFF  }
0x5e: {  	[sflag:s0] =	ssyncadd.tile.s32 @!p0 $0x1;
	_ =	shalt  }
.Lfunc_end1:
_tile_overlayer_lowered:
.L_overlay_start_2:
0x5f: {  	(tag) =	ssettag $0x2  }
0x60: {  	s0 =	rddreg [dreg:$0x0];
	s2 =	stileid.u32  }
0x61: {  	s1 =	rddreg [dreg:$0x1];
	p0 =	sne.s32 s2, $0x0  }
0x62: {  	s3 =	rddreg [dreg:$0x2];
	[bflag:$0x3] =	sbarrier.arrive $0xFFFF;
	s2 =	simm.s32 @!p0 $0x1C01  }
0x63: {  	[timem:s3], [sflag:s2] =	dma.local @!p0 [hbm:s0], s1  }
0x64: {  	s0 =	simm.s32 @!p0 $0x1  }
0x65: {  	_ =	swait.ge @!p0 [sflag:s0], s1  }
0x66: {  	s1 =	ssub.s32 @!p0 $0x0, s1;
	[sflag:s0] =	ssyncset.done @!p0 $0x0  }
0x67: {  	[sflag:s0] =	ssyncadd.s32 @!p0 s1  }
0x68: {  	[bflag:$0x3] =	sbarrier.arrive $0xFFFF  }
0x69: {  	_ =	shalt  }

// kernel: sparse-core-data-format-call.3.cloned.1.call-start
scs
called_computation.3_lowered:
.L_overlay_start_0:
0x0: {  	s1 =	sld [smem:$0x3FD9]  }
0x1: {  	s2 =	sld [smem:$0x3FFE];
	_ =	sdelay $0x1  }
0x2: {  	s3 =	srdreg.scid  }
0x3: {  	s0 =	sand.u32 $0x1, s3  }
0x4: {  	s17 =	sshll.u32 s0, $0xA;
	s1 =	sadd.s32 s2, s1  }
0x5: {  	s1 =	sadd.s32 s1, s17  }
0x6: {  	[smem:$0x3FAD] =	sst s1  }
0x7: {  	_ = 	snop  }
0x8: {  	(tm) =	ssettm $0x1  }
0x9: {  	s18 =	sld [smem:$0x3FFB];
	_ =	sdelay $0x3  }
0xa: {  	_ =	strace s18  }
0xb: {  	s1 =	sld [smem:$0x3FFC];
	_ =	sdelay $0x3  }
0xc: {  	_ =	strace s1  }
0xd: {  	s1 =	sld [smem:$0x3FFD];
	_ =	sdelay $0x3  }
0xe: {  	_ =	strace s1  }
0xf: {  	_ =	strace $0x8FFFFFFF  }
0x10: {  	s19 =	sld [smem:$0x3FDB];
	_ =	sdelay $0x1  }
0x11: {  	s20 =	simm.s32 $_scs_section_size  }
0x12: {  	s4 =	simm.s32 $_size__tile_overlayer_lowered;
	s5 =	simm.s32 $_tile_overlayer_lowered  }
0x13: {  	s23 =	simm.s32 $0x1BFF;
	s22 =	sshll.u32 s5, $0x1;
	s1 =	sadd.s32 s20, s19  }
0x14: {  	s6 =	simm.s32 $0x0;
	s21 =	sshll.u32 s4, $0x1;
	s4 =	sadd.s32 s22, s1  }
0x15: {  	[timem:s6], [sflag:s23] =	dma.local [hbm:s4], s21  }
0x16: {  	_ =	swait.ge [sflag:s23], s21  }
0x17: {  	s2 =	ssub.s32 $0x0, s21;
	[sflag:s23] =	ssyncset.done $0x0  }
0x18: {  	[sflag:s23] =	ssyncadd.s32 s2;
	_ =	sdelay $0x1  }
0x19: {  	s24 =	simm.s32 $0x1B8B  }
0x1a: {  	_ =	swait.ge [sflag:s24], $0x1  }
0x1b: {  	[sflag:s24] =	ssyncset.done $0x0  }
0x1c: {  	s26 =	simm.s32 $0x1B8E;
	s25 =	sld [smem:$0x3FFE];
	[sflag:s24] =	ssyncadd.s32 $0xFFFFFFFF  }
0x1d: {  	s27 =	simm.s32 $execute0_lowered;
	[smem:$0x3FD2] =	sst s26  }
0x1e: {  	s4 =	sshll.u32 s27, $0x1;
	_ =	strace $0x80000046;
	[dreg:$0x1] =	wrdreg $0xFFFFFFFF  }
0x1f: {  	s28 =	simm.s32 $_size_execute0_lowered;
	s1 =	sadd.s32 s1, s4;
	[dreg:$0x0] =	wrdreg $0x0  }
0x20: {  	s4 =	sshll.u32 s28, $0x1;
	[dreg:$0x2] =	wrdreg s1  }
0x21: {  	[dreg:$0x3] =	wrdreg s4  }
0x22: {  	[dreg:$0x4] =	wrdreg $0xC0  }
0x23: {  	_ =	task [dreg:s6], $0x5FFFF  }
0x24: {  	[dreg:$0x1] =	wrdreg $0xFFFFFFFF  }
0x25: {  	[dreg:$0x0] =	wrdreg $0x60  }
0x26: {  	[dreg:$0x2] =	wrdreg s25  }
0x27: {  	[dreg:$0x3] =	wrdreg $0x9  }
0x28: {  	_ =	task.clear_ibuf [dreg:s6], $0x4FFFF;
	_ =	strace $0x90000046  }
0x29: {  	s29 =	simm.s32 $0x9;
	_ =	strace $0x80000048  }
0x2a: {  	_ =	swait.ge [sflag:s29], $0x1  }
0x2b: {  	[sflag:s29] =	ssyncadd.s32 $0xFFFFFFFF  }
0x2c: {  	_ =	strace $0x90000048  }
0x2d: {  	_ =	sfence  }
0x2e: {  	s30 =	sld [smem:$0x0];
	_ =	sdelay $0x2  }
0x2f: {  	s31 =	sshll.u32 s3, $0xD;
	s3 =	sshrl.u32 s3, $0x2  }
0x30: {  	s2 =	sand.u32 $0x4000, s31;
	s1 =	sadd.s32 s3, s30  }
0x31: {  	s0 =	sor.u32 s2, s0;
	s1 =	sshll.u32 s1, $0x11  }
0x32: {  	s0 =	sor.u32 s1, s0  }
0x33: {  	s0 =	sadd.s32 $0x8F2B, s0  }
0x34: {  	[sflag:s0] =	ssyncadd.remote.s32 $0x1  }
0x35: {  	_ =	sfence.sel $0xFFFF  }
0x36: {  	[dreg:$0x0] =	wrdreg $0xFFFFFFFF;
	(pc) =	sbr.abs _section_cstart, $3  }
0x37: {  	[dreg:$0x1] =	wrdreg $0xFFFFFFFF  }
0x38: {  	_ =	task.clear_ibuf [dreg:s6], $0x2FFFF;
	_ =	strace $0x9FFFFFFF  }
0x39: {  	(tm) =	ssettm $0x7FFFFFFF  }
tec
execute0_lowered:
.L_overlay_start_1:
0x0: {  	(tag) =	ssettag $0x1  }
0x1: {  	s0 =	stileid.u32;
	s1 =	srdreg.scid  }
0x2: {  	s7 =	rddreg [dreg:$0x0];
	s9 =	simm.s32 $0x2;
	s18 =	simm.s32 $0x0  }
0x3: {  	s10 =	simm.s32 $0x100;
	s2 =	sshll.u32 s0, $0x6;
	s1 =	sshll.u32 s1, $0xA  }
0x4: {  	s11 =	simm.s32 $0x2000;
	s30 =	sshll.u32 s0, $0x1;
	s1 =	sor.u32 s2, s1  }
0x5: {  	s17 =	simm.s32 $0x0;
	s2 =	sand.u32 $0x2, s30;
	s1 =	sand.u32 $0x780, s1  }
0x6: {  	s19 =	simm.s32 $0x0;
	s3 =	ssub.s32 $0x4, s2;
	s4 =	ssub.s32 $0x800, s1  }
0x7: {  	s12 =	simm.s32 $0x0;
	s5 =	sshrl.u32 s3, $0x2;
	s6 =	sand.u32 $0x780, s4  }
0x8: {  	s3 =	sshrl.u32 s3, $0x1;
	p0 =	sne.s32 s6, $0x0;
	s6 =	simm.s32 $0x1  }
0x9: {  	s3 =	sand.u32 $0x1, s3;
	s4 =	sshrl.u32 s4, $0xB;
	s6 =	simm.s32 @!p0 $0x0  }
0xa: {  	s13 =	simm.s32 $0x0;
	s5 =	sadd.s32 s5, s3;
	s4 =	sadd.s32 s6, s4  }
0xb: {  	s14 =	simm.s32 $0x0;
	s16 =	simm.s32 $0x0;
	s5 =	smul.u32 s4, s5  }
.Ltmp0:
0xc: {  	s15 =	smov.u32 s2;
	s31 =	sshll.u32 s1, $0x4;
	(pc) =	sbr.rel .LBB1_1-.Ltmp0, $4  }
0xd: {  	s8 =	sadd.s32 s31, s7;
	s3 =	rddreg [dreg:$0x1];
	_ =	strace $0x80000047  }
0xe: {  	p0 =	por $0x0, $0x0;
	s4 =	simm.s32 $0x1;
	s5 =	smul.u32 $0x14, s5  }
0xf: {  	s6 =	sadd.s32 $0x293400, s7;
	s7 =	sadd.s32 $0x13400, s8;
	[sflag:s4] =	ssyncpa.u1 $0x0  }
0x10: {  	s8 =	sadd.s32 $0xB3400, s8;
	[sflag:s9] =	ssyncpa.u1 $0x0;
	s9 =	sor.u32 $0x1, s5  }
.LBB1_7:
0x11: {  	p1 =	slt.u32 s16, $0x2  }
0x12: {  	p2 =	sgt.s32 @!p1 s18, $0x13  }
0x13: {  	s19 =	smov.u32 s18;
	s20 =	sshra.s32 @!p1 s18, $0x1F;
	p2 =	por !p2, p1  }
0x14: {  	s21 =	sshra.s32 @!p1 s17, $0x1F;
	s19 =	simm.s32 @p2 $0x13;
	p2 =	sgt.s32 @!p1 s17, $0x2  }
0x15: {  	s18 =	sand.u32 @!p1 s20, s18;
	s20 =	smov.u32 s17;
	p2 =	por !p2, p1  }
0x16: {  	s17 =	sand.u32 @!p1 s21, s17;
	s18 =	ssub.s32 @!p1 s19, s18;
	s20 =	simm.s32 @p2 $0x2  }
0x17: {  	s21 =	smov.u32 s15;
	s19 =	sadd.s32 @!p1 $0xFFFFFFED, s18;
	s17 =	ssub.s32 @!p1 s20, s17  }
0x18: {  	s18 =	ssub.s32 @!p1 $0x14, s18;
	p2 =	sgt.s32 @!p1 s19, $0x0;
	s17 =	sadd.s32 @!p1 $0xFFFFFFFE, s17  }
0x19: {  	s18 =	smul.u32 @!p1 $0x3F, s18;
	p3 =	sgt.s32 @!p1 s17, $0x1;
	s17 =	sshll.u32 @!p1 s17, $0x7  }
0x1a: {  	p2 =	por !p2, p1;
	s17 =	ssub.s32 @!p1 $0x100, s17;
	p3 =	por !p3, p1  }
0x1b: {  	s20 =	sadd.s32 $0x1, s14;
	s18 =	simm.s32 @!p2 $0x0;
	s17 =	simm.s32 @!p3 $0x0  }
0x1c: {  	p2 =	sgt.s32 s20, $0x13;
	s17 =	smul.u32 @!p1 s18, s17;
	s18 =	sadd.s32 $0x4, s15  }
0x1d: {  	s21 =	smov.u32 @p2 s18  }
0x1e: {  	s20 =	simm.s32 @p2 $0x0;
	p2 =	sgt.s32 s21, $0x3  }
0x1f: {  	p0 =	por !p0, !p0;
	s21 =	smov.u32 @p2 s2;
	p2 =	sne.s32 s16, s9  }
.Ltmp1:
0x20: {  	s19 =	simm.s32 @!p1 $0x2;
	s18 =	smov.u32 s12;
	(pc) =	sbr.rel @!p2 .LBB1_8-.Ltmp1, $4  }
0x21: {  	s12 =	smov.u32 s14;
	s14 =	smov.u32 s20;
	s17 =	sand.u32 @!p1 $0x3FFFFF80, s17  }
0x22: {  	_ =	swait.ge @!p1 [sflag:s19], s17;
	s22 =	ssub.s32 @!p1 $0x0, s17;
	s17 =	smov.u32 s13  }
0x23: {  	s16 =	sadd.s32 $0x1, s16;
	s13 =	smov.u32 s15;
	[sflag:s19] =	ssyncset.done @!p1 $0x0  }
0x24: {  	s15 =	smov.u32 s21;
	[sflag:s19] =	ssyncadd.s32 @!p1 s22;
	s19 =	smov.u32 s1  }
.LBB1_1:
0x25: {  	p1 =	sge.u32 s16, s5  }
0x26: {  	s21 =	smul.u32 @!p1 $0xA0000, s15  }
0x27: {  	s20 =	sxor.u32 @!p1 $0xFFFFFFFF, s16;
	s22 =	sshll.u32 @!p1 s14, $0xF;
	s24 =	simm.s32 @!p1 $0x40  }
0x28: {  	s25 =	simm.s32 @!p1 $0x80;
	s20 =	sshll.u32 @!p1 s20, $0xE;
	s23 =	sadd.s32 @!p1 s21, s22  }
0x29: {  	s20 =	sand.u32 @!p1 $0x4000, s20;
	s21 =	sadd.s32 @!p1 s21, s8;
	s23 =	sadd.s32 @!p1 s7, s23  }
0x2a: {  	[tilespmem:s20], [sflag:$0x1] =	stream.strided.gather @!p1 [hbm4b:s23+s24], $0x2000, s25, s24, $0x38;
	[tilespmem:$0x10100] =	vst v63  }
0x2b: {  	s31 =	sadd.s32 $0xFFFFFFFF, s16;
	s21 =	sadd.s32 @!p1 s22, s21;
	s20 =	sor.u32 @!p1 $0x2000, s20  }
0x2c: {  	[tilespmem:s20], [sflag:$0x1] =	stream.strided.gather @!p1 [hbm4b:s21+s24], $0x2000, s25, s24, $0x38;
	[tilespmem:$0x10100] =	vst v63  }
0x2d: {  	p1 =	sge.u32 s31, s5  }
.Ltmp2:
0x2e: {  	_ = 	snop;
	(pc) =	sbr.rel @p1 .LBB1_7-.Ltmp2, $1  }
0x2f: {  	_ =	sdelay $0x3  }
0x30: {  	s20 =	simm.s32 $0x1;
	s22 =	sand.u32 $0x1, s16  }
0x31: {  	_ =	swait.ge [sflag:s4], $0x4000;
	s20 =	simm.s32 @!p0 $0x0;
	s22 =	smul.u32 $0x10200, s22  }
0x32: {  	p2 =	por $0x1, $0x1;
	[sflag:s4] =	ssyncset.done $0x0;
	s21 =	smul.u32 $0x10200, s20  }
0x33: {  	s23 =	sshll.u32 s20, $0x10;
	[sflag:s4] =	ssyncadd.s32 $0xFFFFC000;
	s30 =	sshrl.u32 s22, $0x2  }
0x34: {  	s31 =	sshrl.u32 s23, $0x2;
	s23 =	simm.s32 $0x0;
	s21 =	sshrl.u32 s21, $0x2  }
0x35: {  	s20 =	sor.u32 $0x8000, s30;
	s22 =	sadd.s32 $0x20, s31;
	s21 =	sor.u32 $0x8000, s21  }
.LBB1_3:
0x36: {  	s24 =	sshll.u32 s23, $0xD  }
0x37: {  	s24 =	sand.u32 $0x3FFFE000, s24  }
0x38: {  	s26 =	sadd.s32 s24, s22  }
0x39: {  	s31 =	smul.u32 $0x204, s23;
	v3 =	vld [tilespmem:s26+$0x10]  }
0x3a: {  	v1 =	vld [tilespmem:s26+$0xFFFFFFF0]  }
0x3b: {  	s23 =	sshra.s32 s31, $0x2;
	v0 =	vld [tilespmem:s26+$0x0]  }
0x3c: {  	s23 =	sadd.s32 s23, s21;
	v2 =	vld [tilespmem:s26+$0xFFFFFFE0]  }
0x3d: {  	s24 =	sadd.s32 $0x0, s23  }
0x3e: {  	p1 =	por p2, p2;
	s25 =	simm.s32 $0x4;
	s26 =	sadd.s32 $0x40, s26;
	[tilespmem:s24+$0x3060 ss:$0x102] =	vst.msk $0xffff, v3  }
.LBB1_4:
0x3f: {  	v3 =	vld [tilespmem:s26+$0x10];
	p2 =	sne.s32 s25, $0x1FC;
	[tilespmem:s24+$0x1020 ss:$0x102] =	vst.msk $0xffff, v1;
	s27 =	smov.u32 s25;
	s25 =	sadd.s32 $0x4, s25  }
.Ltmp3:
0x40: {  	v1 =	vld [tilespmem:s26+$0xFFFFFFF0];
	[tilespmem:s24+$0x2040 ss:$0x102] =	vst.msk $0xffff, v0;
	(pc) =	sbr.rel @p2 .LBB1_4-.Ltmp3, $4  }
0x41: {  	v0 =	vld [tilespmem:s26+$0x0];
	[tilespmem:s24+$0x0 ss:$0x102] =	vst.msk $0xffff, v2  }
0x42: {  	s24 =	sshra.s32 s27, $0x2;
	v2 =	vld [tilespmem:s26+$0xFFFFFFE0]  }
0x43: {  	s24 =	sadd.s32 s24, s23  }
0x44: {  	s26 =	sadd.s32 $0x40, s26;
	[tilespmem:s24+$0x3060 ss:$0x102] =	vst.msk $0xffff, v3  }
.Ltmp4:
0x45: {  	(pc) =	sbr.rel @p1 .LBB1_3-.Ltmp4, $4  }
0x46: {  	_ = 	snop  }
0x47: {  	[tilespmem:s24+$0x1020 ss:$0x102] =	vst.msk $0xffff, v1  }
0x48: {  	[tilespmem:s24+$0x2040 ss:$0x102] =	vst.msk $0xffff, v0  }
0x49: {  	s23 =	simm.s32 $0x1;
	p2 =	por $0x0, $0x0;
	[tilespmem:s24+$0x0 ss:$0x102] =	vst.msk $0xffff, v2  }
0x4a: {  	s21 =	sshll.u32 s19, $0x2;
	s22 =	sshll.u32 s13, $0x7;
	p1 =	sgt.s32 s12, $0x13  }
0x4b: {  	s23 =	smov.u32 s12;
	s24 =	sshra.s32 s12, $0x1F;
	s25 =	smov.u32 s13  }
0x4c: {  	s26 =	sshra.s32 s13, $0x1F;
	s29 =	smul.u32 $0xFC00, s12;
	s22 =	sand.u32 $0x180, s22  }
0x4d: {  	s21 =	sand.u32 $0x600, s21;
	s23 =	simm.s32 @!p1 $0x13;
	p1 =	sgt.s32 s13, $0x2  }
0x4e: {  	s24 =	sand.u32 s24, s12;
	s26 =	sand.u32 s26, s13;
	s25 =	simm.s32 @!p1 $0x2  }
0x4f: {  	s21 =	sor.u32 s22, s21;
	s23 =	ssub.s32 s23, s24;
	s27 =	ssub.s32 s25, s26  }
0x50: {  	s24 =	sadd.s32 $0xFFFFFFED, s23;
	s22 =	ssub.s32 $0x14, s23;
	s23 =	sadd.s32 $0xFFFFFFFE, s27  }
0x51: {  	s30 =	sshrl.u32 s19, $0x1;
	s22 =	smul.u32 $0x3F, s22;
	s28 =	sshll.u32 s23, $0x7  }
0x52: {  	p1 =	sgt.s32 s24, $0x0;
	p2 =	sgt.s32 s23, $0x1;
	s23 =	ssub.s32 $0x100, s28  }
.Ltmp5:
0x53: {  	s22 =	simm.s32 @p1 $0x0;
	s23 =	simm.s32 @p2 $0x0;
	(pc) =	sbr.rel .LBB1_7-.Ltmp5, $4  }
0x54: {  	s19 =	sand.u32 $0x300, s30;
	s31 =	sadd.s32 s6, s29;
	s22 =	smul.u32 s22, s23  }
0x55: {  	s21 =	sshrl.u32 s21, $0x3;
	s19 =	sadd.s32 s19, s31  }
0x56: {  	s19 =	sadd.s32 s21, s19;
	s22 =	sand.u32 $0x3FFFFF80, s22  }
0x57: {  	[hbm4b:s19+s10] =	stream.strided.scatter [tilespmem:s20], [sflag:$0x2], s22, s11, s10, $0x20;
	[tilespmem:$0x10100] =	vst v63  }
.LBB1_8:
0x58: {  	_ =	sfence.sel $0x180000  }
0x59: {  	s1 =	simm.s32 $0x1;
	[bflag:$0x0] =	sbarrier.arrive $0xFFFF  }
0x5a: {  	s31 =	simm.s32 $0x2;
	[sflag:s1] =	ssyncpa.u1 $0x1  }
0x5b: {  	[sflag:s31] =	ssyncpa.u1 $0x1  }
0x5c: {  	p0 =	sne.s32 s0, $0x0;
	_ =	strace $0x90000047  }
0x5d: {  	s0 =	sadd.s32 @!p0 $0x100000, s3;
	[bflag:$0x2] =	sbarrier.arrive $0xFFFF  }
0x5e: {  	[sflag:s0] =	ssyncadd.tile.s32 @!p0 $0x1;
	_ =	shalt  }
.Lfunc_end1:
_tile_overlayer_lowered:
.L_overlay_start_2:
0x5f: {  	(tag) =	ssettag $0x2  }
0x60: {  	s0 =	rddreg [dreg:$0x0];
	s2 =	stileid.u32  }
0x61: {  	s1 =	rddreg [dreg:$0x1];
	p0 =	sne.s32 s2, $0x0  }
0x62: {  	s3 =	rddreg [dreg:$0x2];
	[bflag:$0x3] =	sbarrier.arrive $0xFFFF;
	s2 =	simm.s32 @!p0 $0x1C01  }
0x63: {  	[timem:s3], [sflag:s2] =	dma.local @!p0 [hbm:s0], s1  }
0x64: {  	s0 =	simm.s32 @!p0 $0x1  }
0x65: {  	_ =	swait.ge @!p0 [sflag:s0], s1  }
0x66: {  	s1 =	ssub.s32 @!p0 $0x0, s1;
	[sflag:s0] =	ssyncset.done @!p0 $0x0  }
0x67: {  	[sflag:s0] =	ssyncadd.s32 @!p0 s1  }
0x68: {  	[bflag:$0x3] =	sbarrier.arrive $0xFFFF  }
0x69: {  	_ =	shalt  }

// kernel: sparse-core-data-format-call.cloned.1.call-start
scs
called_computation_lowered:
.L_overlay_start_0:
0x0: {  	s1 =	sld [smem:$0x3FD9]  }
0x1: {  	s2 =	sld [smem:$0x3FFE];
	_ =	sdelay $0x1  }
0x2: {  	s3 =	srdreg.scid  }
0x3: {  	s0 =	sand.u32 $0x1, s3  }
0x4: {  	s17 =	sshll.u32 s0, $0xA;
	s1 =	sadd.s32 s2, s1  }
0x5: {  	s1 =	sadd.s32 s1, s17  }
0x6: {  	[smem:$0x3FAD] =	sst s1  }
0x7: {  	_ = 	snop  }
0x8: {  	(tm) =	ssettm $0x1  }
0x9: {  	s18 =	sld [smem:$0x3FFB];
	_ =	sdelay $0x3  }
0xa: {  	_ =	strace s18  }
0xb: {  	s1 =	sld [smem:$0x3FFC];
	_ =	sdelay $0x3  }
0xc: {  	_ =	strace s1  }
0xd: {  	s1 =	sld [smem:$0x3FFD];
	_ =	sdelay $0x3  }
0xe: {  	_ =	strace s1  }
0xf: {  	_ =	strace $0x8FFFFFFF  }
0x10: {  	s19 =	sld [smem:$0x3FDB];
	_ =	sdelay $0x1  }
0x11: {  	s20 =	simm.s32 $_scs_section_size  }
0x12: {  	s4 =	simm.s32 $_size__tile_overlayer_lowered;
	s5 =	simm.s32 $_tile_overlayer_lowered  }
0x13: {  	s23 =	simm.s32 $0x1BFF;
	s22 =	sshll.u32 s5, $0x1;
	s1 =	sadd.s32 s20, s19  }
0x14: {  	s6 =	simm.s32 $0x0;
	s21 =	sshll.u32 s4, $0x1;
	s4 =	sadd.s32 s22, s1  }
0x15: {  	[timem:s6], [sflag:s23] =	dma.local [hbm:s4], s21  }
0x16: {  	_ =	swait.ge [sflag:s23], s21  }
0x17: {  	s2 =	ssub.s32 $0x0, s21;
	[sflag:s23] =	ssyncset.done $0x0  }
0x18: {  	[sflag:s23] =	ssyncadd.s32 s2;
	_ =	sdelay $0x1  }
0x19: {  	s24 =	simm.s32 $0x1B8B  }
0x1a: {  	_ =	swait.ge [sflag:s24], $0x1  }
0x1b: {  	[sflag:s24] =	ssyncset.done $0x0  }
0x1c: {  	s26 =	simm.s32 $0x1B8E;
	s25 =	sld [smem:$0x3FFE];
	[sflag:s24] =	ssyncadd.s32 $0xFFFFFFFF  }
0x1d: {  	s27 =	simm.s32 $execute0_lowered;
	[smem:$0x3FD2] =	sst s26  }
0x1e: {  	s4 =	sshll.u32 s27, $0x1;
	_ =	strace $0x8000004F;
	[dreg:$0x1] =	wrdreg $0xFFFFFFFF  }
0x1f: {  	s28 =	simm.s32 $_size_execute0_lowered;
	s1 =	sadd.s32 s1, s4;
	[dreg:$0x0] =	wrdreg $0x0  }
0x20: {  	s4 =	sshll.u32 s28, $0x1;
	[dreg:$0x2] =	wrdreg s1  }
0x21: {  	[dreg:$0x3] =	wrdreg s4  }
0x22: {  	[dreg:$0x4] =	wrdreg $0xC0  }
0x23: {  	_ =	task [dreg:s6], $0x5FFFF  }
0x24: {  	[dreg:$0x1] =	wrdreg $0xFFFFFFFF  }
0x25: {  	[dreg:$0x0] =	wrdreg $0x60  }
0x26: {  	[dreg:$0x2] =	wrdreg s25  }
0x27: {  	[dreg:$0x3] =	wrdreg $0x9  }
0x28: {  	_ =	task.clear_ibuf [dreg:s6], $0x4FFFF;
	_ =	strace $0x9000004F  }
0x29: {  	s29 =	simm.s32 $0x9;
	_ =	strace $0x80000051  }
0x2a: {  	_ =	swait.ge [sflag:s29], $0x1  }
0x2b: {  	[sflag:s29] =	ssyncadd.s32 $0xFFFFFFFF  }
0x2c: {  	_ =	strace $0x90000051  }
0x2d: {  	_ =	sfence  }
0x2e: {  	s30 =	sld [smem:$0x0];
	_ =	sdelay $0x2  }
0x2f: {  	s31 =	sshll.u32 s3, $0xD;
	s3 =	sshrl.u32 s3, $0x2  }
0x30: {  	s2 =	sand.u32 $0x4000, s31;
	s1 =	sadd.s32 s3, s30  }
0x31: {  	s0 =	sor.u32 s2, s0;
	s1 =	sshll.u32 s1, $0x11  }
0x32: {  	s0 =	sor.u32 s1, s0  }
0x33: {  	s0 =	sadd.s32 $0x8F2B, s0  }
0x34: {  	[sflag:s0] =	ssyncadd.remote.s32 $0x1  }
0x35: {  	_ =	sfence.sel $0xFFFF  }
0x36: {  	[dreg:$0x0] =	wrdreg $0xFFFFFFFF;
	(pc) =	sbr.abs _section_cstart, $3  }
0x37: {  	[dreg:$0x1] =	wrdreg $0xFFFFFFFF  }
0x38: {  	_ =	task.clear_ibuf [dreg:s6], $0x2FFFF;
	_ =	strace $0x9FFFFFFF  }
0x39: {  	(tm) =	ssettm $0x7FFFFFFF  }
tec
execute0_lowered:
.L_overlay_start_1:
0x0: {  	(tag) =	ssettag $0x1  }
0x1: {  	s3 =	rddreg [dreg:$0x0]  }
0x2: {  	s2 =	srdreg.scid;
	s0 =	rddreg [dreg:$0x1]  }
0x3: {  	s1 =	stileid.u32;
	_ =	strace $0x80000050;
	s6 =	simm.s32 $0x1  }
0x4: {  	s9 =	simm.s32 $0x2;
	s16 =	simm.s32 $0x0;
	p0 =	por $0x0, $0x0  }
0x5: {  	s10 =	simm.s32 $0x600;
	s17 =	simm.s32 $0x0;
	s15 =	simm.s32 $0x0  }
0x6: {  	s14 =	simm.s32 $0x0;
	s4 =	sshll.u32 s2, $0x4;
	s2 =	sadd.s32 $0x81000, s3  }
.Ltmp0:
0x7: {  	s3 =	sadd.s32 $0x286000, s3;
	s5 =	sor.u32 s1, s4;
	(pc) =	sbr.rel .LBB1_1-.Ltmp0, $4  }
0x8: {  	s8 =	sshrl.u32 s1, $0x1;
	[sflag:s6] =	ssyncpa.u1 $0x0;
	s5 =	sand.u32 $0x18, s5  }
0x9: {  	s4 =	sand.u32 $0x3, s1;
	s8 =	sand.u32 $0x2, s8;
	s7 =	ssub.s32 $0x2A8, s5  }
0xa: {  	[sflag:s9] =	ssyncpa.u1 $0x0;
	s12 =	smov.u32 s8;
	s7 =	sshrl.u32 s7, $0x5  }
0xb: {  	s13 =	smov.u32 s4;
	s11 =	smov.u32 s5;
	s9 =	sor.u32 $0x2, s7  }
.LBB1_7:
0xc: {  	s18 =	sadd.s32 $0x20, s11  }
0xd: {  	s15 =	sadd.s32 $0x4, s12;
	s19 =	smov.u32 s12;
	p2 =	sgt.s32 s18, $0x2A9  }
0xe: {  	s19 =	smov.u32 @p2 s15  }
0xf: {  	s21 =	smov.u32 s13;
	s15 =	sadd.s32 $0x4, s13;
	p3 =	sgt.s32 s19, $0x2  }
0x10: {  	s21 =	smov.u32 @p3 s15  }
0x11: {  	s18 =	smov.u32 @p2 s5;
	p2 =	sgt.s32 s21, $0x3  }
0x12: {  	p1 =	slt.u32 s14, $0x2;
	s21 =	smov.u32 @p2 s4;
	p2 =	sne.s32 s14, s9  }
.Ltmp1:
0x13: {  	s20 =	simm.s32 @!p1 $0x2;
	(pc) =	sbr.rel @!p2 .LBB1_8-.Ltmp1, $4  }
0x14: {  	s16 =	smov.u32 s11;
	s17 =	smov.u32 s12;
	_ =	swait.ge @!p1 [sflag:s20], $0x4000  }
0x15: {  	p0 =	por !p0, !p0;
	[sflag:s20] =	ssyncset.done @!p1 $0x0;
	s11 =	smov.u32 s18  }
0x16: {  	s19 =	smov.u32 @p3 s8;
	s15 =	smov.u32 s13;
	[sflag:s20] =	ssyncadd.s32 @!p1 $0xFFFFC000  }
0x17: {  	s12 =	smov.u32 s19;
	s14 =	sadd.s32 $0x1, s14;
	s13 =	smov.u32 s21  }
.LBB1_1:
0x18: {  	p1 =	sgt.u32 s14, s7;
	s19 =	smov.u32 s13;
	s23 =	smov.u32 s11  }
0x19: {  	p2 =	sgt.s32 @!p1 s13, $0x3;
	s18 =	sand.u32 @!p1 $0x1FFFF8, s11;
	s20 =	sshra.s32 @!p1 s13, $0x1F  }
0x1a: {  	s22 =	sshra.s32 @!p1 s12, $0x1F;
	p2 =	por !p2, p1;
	s21 =	smulhi.u32 @!p1 $0x5F417E, s18  }
0x1b: {  	s20 =	sand.u32 @!p1 s20, s13;
	s22 =	sand.u32 @!p1 s22, s12;
	s19 =	simm.s32 @p2 $0x3  }
0x1c: {  	p2 =	sgt.s32 @!p1 s12, $0x1;
	s22 =	sxor.u32 @!p1 $0xFFFFFFFF, s22;
	s19 =	ssub.s32 @!p1 s19, s20  }
0x1d: {  	s20 =	smul.u32 @!p1 $0x2B0, s21;
	p2 =	por !p2, p1;
	s21 =	sadd.s32 @!p1 $0xFFFFFFFD, s19  }
0x1e: {  	s19 =	ssub.s32 @!p1 $0x4, s19;
	p3 =	sgt.s32 @!p1 s21, $0x0;
	s21 =	smov.u32 s12  }
0x1f: {  	s18 =	ssub.s32 @!p1 s18, s20;
	s21 =	simm.s32 @p2 $0x1;
	p2 =	sgt.s32 @!p1 s11, $0x2A8  }
0x20: {  	s20 =	smul.u32 @!p1 $0x40800, s13;
	p3 =	por !p3, p1;
	p2 =	por !p2, p1  }
0x21: {  	s21 =	sadd.s32 @!p1 s22, s21;
	s22 =	sshra.s32 @!p1 s11, $0x1F;
	s23 =	simm.s32 @p2 $0x2A8  }
0x22: {  	p2 =	sgt.s32 @!p1 s21, $0x1;
	s21 =	sshll.u32 @!p1 s21, $0xA;
	s22 =	sand.u32 @!p1 s22, s11  }
0x23: {  	s21 =	ssub.s32 @!p1 $0x800, s21;
	p2 =	por !p2, p1;
	s22 =	ssub.s32 @!p1 s23, s22  }
0x24: {  	s19 =	simm.s32 @!p3 $0x0;
	s21 =	simm.s32 @!p2 $0x0;
	s23 =	sadd.s32 @!p1 $0xFFFFFD58, s22  }
0x25: {  	s19 =	smul.u32 @!p1 s19, s21;
	p2 =	sgt.s32 @!p1 s23, $0x7  }
0x26: {  	s21 =	ssub.s32 @!p1 $0x2B0, s22;
	s22 =	smul.u32 @!p1 $0x15800, s12;
	p2 =	por !p2, p1  }
0x27: {  	s20 =	sadd.s32 @!p1 s2, s20;
	s23 =	sshll.u32 @!p1 s11, $0x3;
	s21 =	simm.s32 @!p2 $0x0  }
0x28: {  	s20 =	sadd.s32 @!p1 s22, s20;
	s19 =	smul.u32 @!p1 s21, s19;
	s21 =	sand.u32 @!p1 $0x30, s23  }
0x29: {  	s18 =	sshll.u32 @!p1 s18, $0x7;
	s22 =	sxor.u32 @!p1 $0xFFFFFFFF, s14;
	s20 =	sadd.s32 @!p1 s21, s20  }
0x2a: {  	s21 =	simm.s32 @!p1 $0x2000;
	s18 =	sadd.s32 @!p1 s18, s20;
	s20 =	sshll.u32 @!p1 s22, $0xE  }
0x2b: {  	s19 =	sand.u32 @!p1 $0x3FFFFC00, s19;
	s22 =	simm.s32 @!p1 $0xAC000;
	s20 =	sand.u32 @!p1 $0x4000, s20  }
0x2c: {  	[tilespmem:s20], [sflag:$0x1] =	stream.strided.gather @!p1 [hbm4b:s18+s21], s19, s22, s21, $0x38;
	[tilespmem:$0x11000] =	vst v63  }
0x2d: {  	p1 =	seq.s32 s14, $0x0  }
0x2e: {  	p2 =	sge.u32 @!p1 s14, s9  }
0x2f: {  	p1 =	por p1, p2  }
.Ltmp2:
0x30: {  	_ = 	snop;
	(pc) =	sbr.rel @p1 .LBB1_7-.Ltmp2, $1  }
0x31: {  	_ =	sdelay $0x3  }
0x32: {  	p1 =	sgt.s32 s15, $0x3;
	s18 =	smov.u32 s15;
	s19 =	sshra.s32 s15, $0x1F  }
0x33: {  	s18 =	simm.s32 @!p1 $0x3;
	s19 =	sand.u32 s19, s15  }
0x34: {  	s20 =	sshra.s32 s17, $0x1F;
	p2 =	sgt.s32 s17, $0x1;
	s18 =	ssub.s32 s18, s19  }
0x35: {  	s21 =	sshra.s32 s16, $0x1F;
	s29 =	sand.u32 $0x1, s14;
	s19 =	sadd.s32 $0xFFFFFFFD, s18  }
0x36: {  	s20 =	sand.u32 s20, s17;
	p1 =	sgt.s32 s19, $0x0;
	s19 =	smov.u32 s17  }
0x37: {  	s21 =	sand.u32 s21, s16;
	s20 =	sxor.u32 $0xFFFFFFFF, s20;
	s19 =	simm.s32 @!p2 $0x1  }
0x38: {  	p2 =	sgt.s32 s16, $0x2A8;
	s19 =	sadd.s32 s20, s19;
	s20 =	smov.u32 s16  }
0x39: {  	s18 =	ssub.s32 $0x4, s18;
	s20 =	simm.s32 @!p2 $0x2A8;
	s22 =	sshll.u32 s19, $0xA  }
0x3a: {  	p2 =	sgt.s32 s19, $0x1;
	s27 =	ssub.s32 s20, s21;
	s20 =	ssub.s32 $0x800, s22  }
0x3b: {  	s18 =	simm.s32 @p1 $0x0;
	s21 =	sadd.s32 $0xFFFFFD58, s27;
	s20 =	simm.s32 @p2 $0x0  }
0x3c: {  	s19 =	ssub.s32 $0x2B0, s27;
	p1 =	sgt.s32 s21, $0x7;
	s18 =	smul.u32 s18, s20  }
0x3d: {  	s30 =	smul.u32 $0x12000, s29;
	s19 =	simm.s32 @p1 $0x0  }
0x3e: {  	s20 =	simm.s32 $0x1;
	s18 =	smul.u32 s19, s18  }
0x3f: {  	s31 =	sshrl.u32 s30, $0x2;
	s20 =	simm.s32 @!p0 $0x0  }
0x40: {  	s22 =	simm.s32 $0x0;
	s28 =	smul.u32 $0x12000, s20;
	s18 =	sand.u32 $0x3FFFFC00, s18  }
0x41: {  	s21 =	simm.s32 $0x0;
	s20 =	sshll.u32 s29, $0xE;
	_ =	swait.ge [sflag:s6], s18  }
0x42: {  	s19 =	sshrl.u32 s28, $0x2;
	s18 =	ssub.s32 $0x0, s18;
	[sflag:s6] =	ssyncset.done $0x0  }
0x43: {  	s19 =	sor.u32 $0x8000, s19;
	[sflag:s6] =	ssyncadd.s32 s18;
	s18 =	sor.u32 $0x8000, s31  }
.LBB1_3:
0x44: {  	s23 =	sshll.u32 s22, $0x8  }
0x45: {  	s23 =	sshrl.u32 s23, $0x2  }
0x46: {  	v0 =	vmov s23;
	_ =	sdelay $0x1  }
0x47: {  	s30 =	sand.u32 $0x1C00, s21  }
0x48: {  	s24 =	sand.u32 $0x200, s21;
	s23 =	sadd.s32 s30, s20  }
0x49: {  	s24 =	sadd.s32 s24, s23  }
0x4a: {  	v1 =	vld.idx.msk [tilespmem:v0+s24+$0x2070 ss:$0x1], $0xffff  }
0x4b: {  	v2 =	vld.idx.msk [tilespmem:v0+s24+$0x70 ss:$0x1], $0xffff  }
0x4c: {  	v3 =	vld.idx.msk [tilespmem:v0+s24+$0x2000 ss:$0x1], $0xffff  }
0x4d: {  	v5 =	vld.idx.msk [tilespmem:v0+s24+$0x2040 ss:$0x1], $0xffff  }
0x4e: {  	v6 =	vld.idx.msk [tilespmem:v0+s24+$0x2060 ss:$0x1], $0xffff  }
0x4f: {  	v7 =	vld.idx.msk [tilespmem:v0+s24+$0x30 ss:$0x1], $0xffff  }
0x50: {  	v9 =	vld.idx.msk [tilespmem:v0+s24+$0x0 ss:$0x1], $0xffff  }
0x51: {  	v8 =	vld.idx.msk [tilespmem:v0+s24+$0x60 ss:$0x1], $0xffff  }
0x52: {  	v10 =	vld.idx.msk [tilespmem:v0+s24+$0x50 ss:$0x1], $0xffff  }
0x53: {  	s31 =	simm.s32 $0x200;
	v13 =	vld.idx.msk [tilespmem:v0+s24+$0x2050 ss:$0x1], $0xffff  }
0x54: {  	s25 =	sand.u32 $0x1C00, s31;
	v4 =	vld.idx.msk [tilespmem:v0+s24+$0x40 ss:$0x1], $0xffff;
	v11 =	vunpack.i.u.s16.s32 v2;
	v2 =	vunpack.i.l.s16.s32 v2;
	v12 =	vunpack.i.l.s16.s32 v1  }
0x55: {  	s25 =	sadd.s32 s25, s20;
	s23 =	sand.u32 $0x200, s31;
	v15 =	vld.idx.msk [tilespmem:v0+s24+$0x2020 ss:$0x1], $0xffff;
	v1 =	vunpack.i.u.s16.s32 v1;
	v14 =	vunpack.i.l.s16.s32 v3;
	v16 =	vunpack.i.l.s16.s32 v6  }
0x56: {  	s23 =	sadd.s32 s23, s25;
	v19 =	vld.idx.msk [tilespmem:v0+s24+$0x2010 ss:$0x1], $0xffff;
	v21 =	vunpack.i.l.s16.s32 v7;
	v18 =	vunpack.i.u.s16.s32 v3;
	v3 =	vunpack.i.u.s16.s32 v5  }
0x57: {  	v24 =	vld.idx.msk [tilespmem:v0+s23+$0x2070 ss:$0x1], $0xffff;
	v20 =	vunpack.i.u.s16.s32 v8;
	v22 =	vunpack.i.u.s16.s32 v9;
	v5 =	vunpack.i.l.s16.s32 v5  }
0x58: {  	v17 =	vld.idx.msk [tilespmem:v0+s24+$0x20 ss:$0x1], $0xffff;
	v25 =	vunpack.i.u.s16.s32 v10;
	v26 =	vunpack.i.u.s16.s32 v13;
	v8 =	vunpack.i.l.s16.s32 v8  }
0x59: {  	v23 =	vld.idx.msk [tilespmem:v0+s24+$0x10 ss:$0x1], $0xffff;
	v6 =	vunpack.i.u.s16.s32 v6;
	v12 =	vpack.i.b32.b16 v12, v2;
	v11 =	vpack.i.b32.b16 v1, v11  }
0x5a: {  	v62 =	vld.idx.msk [tilespmem:v0+s23+$0x30 ss:$0x1], $0xffff;
	v2 =	vunpack.i.u.s16.s32 v7;
	v1 =	vunpack.i.u.s16.s32 v4;
	v4 =	vunpack.i.l.s16.s32 v4  }
0x5b: {  	v7 =	vld.idx.msk [tilespmem:v0+s24+$0x2030 ss:$0x1], $0xffff;
	v27 =	vpack.i.b32.b16 v16, v8;
	v16 =	vunpack.i.l.s16.s32 v19;
	v6 =	vpack.i.b32.b16 v6, v20;
	[tilespmem:s19+$0x3F0 ss:$0x9] =	vst.msk $0xffff, v12  }
0x5c: {  	v8 =	vld.idx.msk [tilespmem:v0+s23+$0x2040 ss:$0x1], $0xffff;
	v20 =	vunpack.i.l.s16.s32 v24;
	v3 =	vpack.i.b32.b16 v3, v1;
	v1 =	vpack.i.b32.b16 v5, v4;
	[tilespmem:s19+$0x360 ss:$0x9] =	vst.msk $0xffff, v27  }
0x5d: {  	v18 =	vpack.i.b32.b16 v18, v22;
	v4 =	vunpack.i.l.s16.s32 v10;
	v5 =	vunpack.i.l.s16.s32 v13;
	v12 =	vld.idx.msk [tilespmem:v0+s23+$0x70 ss:$0x1], $0xffff;
	[tilespmem:s19+$0x240 ss:$0x9] =	vst.msk $0xffff, v1  }
0x5e: {  	v13 =	vunpack.i.l.s16.s32 v15;
	v10 =	vld.idx.msk [tilespmem:v0+s23+$0x40 ss:$0x1], $0xffff;
	v15 =	vunpack.i.u.s16.s32 v15;
	v4 =	vpack.i.b32.b16 v5, v4;
	[tilespmem:s19+$0x361 ss:$0x9] =	vst.msk $0xffff, v6  }
0x5f: {  	v1 =	vld.idx.msk [tilespmem:v0+s23+$0x2000 ss:$0x1], $0xffff;
	v5 =	vunpack.i.l.s16.s32 v17;
	v17 =	vunpack.i.u.s16.s32 v17;
	v6 =	vunpack.i.l.s16.s32 v62;
	[tilespmem:s19+$0x2D0 ss:$0x9] =	vst.msk $0xffff, v4  }
0x60: {  	v5 =	vpack.i.b32.b16 v13, v5;
	[tilespmem:s19+$0x241 ss:$0x9] =	vst.msk $0xffff, v3;
	v3 =	vpack.i.b32.b16 v26, v25;
	v4 =	vld.idx.msk [tilespmem:v0+s23+$0x2060 ss:$0x1], $0xffff;
	v13 =	vunpack.i.u.s16.s32 v7  }
0x61: {  	[tilespmem:s19+$0x2D1 ss:$0x9] =	vst.msk $0xffff, v3;
	v3 =	vld.idx.msk [tilespmem:v0+s23+$0x0 ss:$0x1], $0xffff;
	v28 =	vunpack.i.l.s16.s32 v7;
	v7 =	vunpack.i.l.s16.s32 v9;
	v9 =	vunpack.i.l.s16.s32 v23  }
0x62: {  	[tilespmem:s19+$0x120 ss:$0x9] =	vst.msk $0xffff, v5;
	v5 =	vunpack.i.u.s16.s32 v19;
	v19 =	vunpack.i.u.s16.s32 v24;
	v63 =	vpack.i.b32.b16 v16, v9;
	v9 =	vld.idx.msk [tilespmem:v0+s23+$0x60 ss:$0x1], $0xffff  }
0x63: {  	[tilespmem:s19+$0x3F1 ss:$0x9] =	vst.msk $0xffff, v11;
	v23 =	vunpack.i.u.s16.s32 v23;
	v11 =	vunpack.i.u.s16.s32 v12;
	v16 =	vpack.i.b32.b16 v15, v17;
	v15 =	vld.idx.msk [tilespmem:v0+s23+$0x50 ss:$0x1], $0xffff  }
0x64: {  	v12 =	vunpack.i.l.s16.s32 v12;
	v23 =	vpack.i.b32.b16 v5, v23;
	v17 =	vld.idx.msk [tilespmem:v0+s23+$0x2050 ss:$0x1], $0xffff;
	v21 =	vpack.i.b32.b16 v28, v21;
	[tilespmem:s19+$0x90 ss:$0x9] =	vst.msk $0xffff, v63  }
0x65: {  	s26 =	sadd.s32 $0x480, s19;
	s27 =	simm.s32 $0x80;
	v5 =	vunpack.i.l.s16.s32 v1;
	v24 =	vpack.i.b32.b16 v20, v12;
	v20 =	vpack.i.b32.b16 v14, v7;
	v7 =	vld.idx.msk [tilespmem:v0+s23+$0x2020 ss:$0x1], $0xffff;
	[tilespmem:s19+$0x91 ss:$0x9] =	vst.msk $0xffff, v23  }
0x66: {  	s28 =	simm.s32 $0x400;
	s25 =	smov.u32 s19;
	s24 =	smov.u32 s26;
	v11 =	vpack.i.b32.b16 v19, v11;
	v12 =	vld.idx.msk [tilespmem:v0+s23+$0x20 ss:$0x1], $0xffff;
	v19 =	vunpack.i.u.s16.s32 v62;
	v14 =	vunpack.i.l.s16.s32 v4;
	[tilespmem:s26+$0x3F0 ss:$0x9] =	vst.msk $0xffff, v24  }
.LBB1_4:
0x67: {  	s29 =	sand.u32 $0x1C00, s28;
	s27 =	sadd.s32 $0x80, s27;
	v22 =	vld.idx.msk [tilespmem:v0+s23+$0x2030 ss:$0x1], $0xffff;
	v23 =	vunpack.i.u.s16.s32 v10;
	v10 =	vunpack.i.l.s16.s32 v10;
	s26 =	sadd.s32 $0x480, s26;
	[tilespmem:s25+$0x0 ss:$0x9] =	vst.msk $0xffff, v20;
	v13 =	vpack.i.b32.b16 v13, v2;
	v2 =	vmovc v19  }
0x68: {  	s30 =	sand.u32 $0x200, s28;
	v19 =	vunpack.i.u.s16.s32 v1;
	v1 =	vunpack.i.u.s16.s32 v8;
	v24 =	vunpack.i.u.s16.s32 v9;
	s29 =	sadd.s32 s29, s20;
	p1 =	slt.u32 s27, $0x780;
	v20 =	vld.idx.msk [tilespmem:v0+s23+$0x2010 ss:$0x1], $0xffff;
	[tilespmem:s25+$0x1B0 ss:$0x9] =	vst.msk $0xffff, v21  }
0x69: {  	v8 =	vunpack.i.l.s16.s32 v8;
	v21 =	vunpack.i.u.s16.s32 v3;
	v23 =	vpack.i.b32.b16 v1, v23;
	v25 =	vld.idx.msk [tilespmem:v0+s23+$0x10 ss:$0x1], $0xffff;
	s23 =	sadd.s32 s30, s29;
	[tilespmem:s25+$0x1B1 ss:$0x9] =	vst.msk $0xffff, v13  }
0x6a: {  	v1 =	vpack.i.b32.b16 v8, v10;
	v8 =	vunpack.i.l.s16.s32 v15;
	v10 =	vunpack.i.l.s16.s32 v17;
	v26 =	vld.idx.msk [tilespmem:v0+s23+$0x2070 ss:$0x1], $0xffff;
	[tilespmem:s25+$0x121 ss:$0x9] =	vst.msk $0xffff, v16  }
0x6b: {  	v15 =	vunpack.i.u.s16.s32 v15;
	v16 =	vunpack.i.u.s16.s32 v17;
	v8 =	vpack.i.b32.b16 v10, v8;
	v27 =	vld.idx.msk [tilespmem:v0+s23+$0x70 ss:$0x1], $0xffff;
	[tilespmem:s24+$0x240 ss:$0x9] =	vst.msk $0xffff, v1  }
0x6c: {  	v9 =	vunpack.i.l.s16.s32 v9;
	v17 =	vunpack.i.l.s16.s32 v7;
	v13 =	vunpack.i.l.s16.s32 v12;
	v1 =	vld.idx.msk [tilespmem:v0+s23+$0x2000 ss:$0x1], $0xffff;
	[tilespmem:s25+$0x1 ss:$0x9] =	vst.msk $0xffff, v18;
	s25 =	smov.u32 s24;
	s24 =	smov.u32 s26  }
0x6d: {  	v14 =	vpack.i.b32.b16 v14, v9;
	v12 =	vunpack.i.u.s16.s32 v12;
	v17 =	vpack.i.b32.b16 v17, v13;
	v10 =	vld.idx.msk [tilespmem:v0+s23+$0x40 ss:$0x1], $0xffff;
	[tilespmem:s25+$0x2D0 ss:$0x9] =	vst.msk $0xffff, v8  }
0x6e: {  	v9 =	vpack.i.b32.b16 v16, v15;
	v13 =	vunpack.i.u.s16.s32 v22;
	v22 =	vunpack.i.l.s16.s32 v22;
	v8 =	vld.idx.msk [tilespmem:v0+s23+$0x2040 ss:$0x1], $0xffff;
	[tilespmem:s25+$0x241 ss:$0x9] =	vst.msk $0xffff, v23  }
0x6f: {  	v18 =	vunpack.i.l.s16.s32 v3;
	v15 =	vunpack.i.l.s16.s32 v25;
	v23 =	vunpack.i.u.s16.s32 v4;
	[tilespmem:s25+$0x2D1 ss:$0x9] =	vst.msk $0xffff, v9;
	v4 =	vld.idx.msk [tilespmem:v0+s23+$0x2060 ss:$0x1], $0xffff  }
0x70: {  	v7 =	vunpack.i.u.s16.s32 v7;
	v25 =	vunpack.i.u.s16.s32 v25;
	v9 =	vunpack.i.l.s16.s32 v20;
	v28 =	vld.idx.msk [tilespmem:v0+s23+$0x30 ss:$0x1], $0xffff;
	[tilespmem:s25+$0x3F1 ss:$0x9] =	vst.msk $0xffff, v11  }
0x71: {  	v16 =	vpack.i.b32.b16 v7, v12;
	v11 =	vunpack.i.u.s16.s32 v27;
	v29 =	vpack.i.b32.b16 v9, v15;
	v3 =	vld.idx.msk [tilespmem:v0+s23+$0x0 ss:$0x1], $0xffff;
	[tilespmem:s25+$0x120 ss:$0x9] =	vst.msk $0xffff, v17  }
.Ltmp3:
0x72: {  	v12 =	vunpack.i.u.s16.s32 v20;
	v7 =	vunpack.i.l.s16.s32 v27;
	v9 =	vld.idx.msk [tilespmem:v0+s23+$0x60 ss:$0x1], $0xffff;
	[tilespmem:s25+$0x360 ss:$0x9] =	vst.msk $0xffff, v14;
	v14 =	vpack.i.b32.b16 v23, v24;
	(pc) =	sbr.rel @p1 .LBB1_4-.Ltmp3, $4  }
0x73: {  	v20 =	vunpack.i.l.s16.s32 v26;
	v12 =	vpack.i.b32.b16 v12, v25;
	v23 =	vunpack.i.u.s16.s32 v26;
	v15 =	vld.idx.msk [tilespmem:v0+s23+$0x50 ss:$0x1], $0xffff;
	[tilespmem:s25+$0x90 ss:$0x9] =	vst.msk $0xffff, v29  }
0x74: {  	v24 =	vpack.i.b32.b16 v20, v7;
	v20 =	vpack.i.b32.b16 v5, v18;
	v5 =	vunpack.i.l.s16.s32 v1;
	v17 =	vld.idx.msk [tilespmem:v0+s23+$0x2050 ss:$0x1], $0xffff;
	[tilespmem:s25+$0x361 ss:$0x9] =	vst.msk $0xffff, v14  }
0x75: {  	v18 =	vpack.i.b32.b16 v19, v21;
	v11 =	vpack.i.b32.b16 v23, v11;
	v14 =	vunpack.i.l.s16.s32 v4;
	v7 =	vld.idx.msk [tilespmem:v0+s23+$0x2020 ss:$0x1], $0xffff;
	[tilespmem:s25+$0x91 ss:$0x9] =	vst.msk $0xffff, v12  }
0x76: {  	s28 =	sadd.s32 $0x200, s28;
	v21 =	vpack.i.b32.b16 v22, v6;
	v19 =	vunpack.i.u.s16.s32 v28;
	v6 =	vunpack.i.l.s16.s32 v28;
	v12 =	vld.idx.msk [tilespmem:v0+s23+$0x20 ss:$0x1], $0xffff;
	[tilespmem:s26+$0x3F0 ss:$0x9] =	vst.msk $0xffff, v24  }
0x77: {  	[tilespmem:s25+$0x0 ss:$0x9] =	vst.msk $0xffff, v20  }
0x78: {  	[tilespmem:s25+$0x1B0 ss:$0x9] =	vst.msk $0xffff, v21  }
0x79: {  	[tilespmem:s25+$0x121 ss:$0x9] =	vst.msk $0xffff, v16  }
0x7a: {  	v2 =	vpack.i.b32.b16 v13, v2;
	[tilespmem:s24+$0x3F1 ss:$0x9] =	vst.msk $0xffff, v11  }
0x7b: {  	v34 =	vunpack.i.l.s16.s32 v10;
	v35 =	vunpack.i.l.s16.s32 v8;
	[tilespmem:s25+$0x1B1 ss:$0x9] =	vst.msk $0xffff, v2  }
0x7c: {  	v56 =	vunpack.i.l.s16.s32 v3;
	v36 =	vpack.i.b32.b16 v35, v34;
	[tilespmem:s25+$0x1 ss:$0x9] =	vst.msk $0xffff, v18  }
0x7d: {  	v40 =	vunpack.i.u.s16.s32 v10;
	v41 =	vunpack.i.u.s16.s32 v8;
	v5 =	vpack.i.b32.b16 v5, v56;
	[tilespmem:s24+$0x240 ss:$0x9] =	vst.msk $0xffff, v36  }
0x7e: {  	v37 =	vld.idx.msk [tilespmem:v0+s23+$0x2010 ss:$0x1], $0xffff;
	v1 =	vunpack.i.u.s16.s32 v1;
	v61 =	vunpack.i.u.s16.s32 v3;
	v2 =	vpack.i.b32.b16 v41, v40;
	[tilespmem:s24+$0x0 ss:$0x9] =	vst.msk $0xffff, v5  }
0x7f: {  	v42 =	vld.idx.msk [tilespmem:v0+s23+$0x10 ss:$0x1], $0xffff;
	v38 =	vunpack.i.l.s16.s32 v15;
	v63 =	vpack.i.b32.b16 v1, v61;
	v39 =	vunpack.i.l.s16.s32 v17;
	[tilespmem:s24+$0x241 ss:$0x9] =	vst.msk $0xffff, v2  }
0x80: {  	v48 =	vld.idx.msk [tilespmem:v0+s23+$0x2030 ss:$0x1], $0xffff;
	v49 =	vunpack.i.l.s16.s32 v9;
	v16 =	vpack.i.b32.b16 v39, v38;
	[tilespmem:s24+$0x1 ss:$0x9] =	vst.msk $0xffff, v63  }
0x81: {  	v43 =	vunpack.i.u.s16.s32 v15;
	v44 =	vunpack.i.u.s16.s32 v17;
	v2 =	vpack.i.b32.b16 v14, v49;
	[tilespmem:s24+$0x2D0 ss:$0x9] =	vst.msk $0xffff, v16  }
0x82: {  	v52 =	vunpack.i.u.s16.s32 v9;
	v4 =	vunpack.i.u.s16.s32 v4;
	v45 =	vpack.i.b32.b16 v44, v43;
	[tilespmem:s24+$0x360 ss:$0x9] =	vst.msk $0xffff, v2  }
0x83: {  	v4 =	vpack.i.b32.b16 v4, v52;
	v47 =	vunpack.i.l.s16.s32 v7;
	v46 =	vunpack.i.l.s16.s32 v12;
	[tilespmem:s24+$0x2D1 ss:$0x9] =	vst.msk $0xffff, v45  }
0x84: {  	v8 =	vpack.i.b32.b16 v47, v46;
	v50 =	vunpack.i.l.s16.s32 v42;
	v51 =	vunpack.i.l.s16.s32 v37;
	[tilespmem:s24+$0x361 ss:$0x9] =	vst.msk $0xffff, v4  }
0x85: {  	p1 =	slt.u32 s22, $0x6;
	v57 =	vunpack.i.l.s16.s32 v48;
	[tilespmem:s24+$0x120 ss:$0x9] =	vst.msk $0xffff, v8;
	v53 =	vpack.i.b32.b16 v51, v50  }
.Ltmp4:
0x86: {  	v60 =	vunpack.i.u.s16.s32 v7;
	v59 =	vunpack.i.u.s16.s32 v12;
	v58 =	vpack.i.b32.b16 v57, v6;
	[tilespmem:s24+$0x90 ss:$0x9] =	vst.msk $0xffff, v53;
	(pc) =	sbr.rel @p1 .LBB1_3-.Ltmp4, $4  }
0x87: {  	v54 =	vunpack.i.u.s16.s32 v42;
	v55 =	vunpack.i.u.s16.s32 v37;
	v62 =	vpack.i.b32.b16 v60, v59;
	[tilespmem:s24+$0x1B0 ss:$0x9] =	vst.msk $0xffff, v58  }
0x88: {  	v0 =	vunpack.i.u.s16.s32 v48;
	v2 =	vpack.i.b32.b16 v55, v54;
	[tilespmem:s24+$0x121 ss:$0x9] =	vst.msk $0xffff, v62  }
0x89: {  	s31 =	sadd.s32 $0x2, s22;
	v0 =	vpack.i.b32.b16 v0, v19;
	[tilespmem:s24+$0x91 ss:$0x9] =	vst.msk $0xffff, v2  }
0x8a: {  	s19 =	sadd.s32 $0x2, s19;
	s22 =	smov.u32 s31;
	[tilespmem:s24+$0x1B1 ss:$0x9] =	vst.msk $0xffff, v0  }
0x8b: {  	s19 =	sshrl.u32 s17, $0x2  }
0x8c: {  	s20 =	sand.u32 $0x1, s17;
	s21 =	sshll.u32 s16, $0x2;
	s19 =	smul.u32 $0xC00, s19  }
0x8d: {  	s27 =	sshll.u32 s17, $0x7;
	s28 =	sshll.u32 s16, $0x1;
	s21 =	sand.u32 $0xFFFFFE00, s21  }
0x8e: {  	s17 =	sand.u32 $0x100, s27;
	s16 =	sand.u32 $0xFE, s28;
	s19 =	sadd.s32 s19, s21  }
0x8f: {  	s16 =	sor.u32 s20, s16;
	s17 =	sor.u32 s17, s19  }
0x90: {  	s16 =	sor.u32 s17, s16;
	s17 =	smulhi.u32 $0xAAAAAAAB, s17  }
0x91: {  	s29 =	smulhi.u32 $0xAAAAAAAB, s16;
	_ =	sdelay $0x1  }
0x92: {  	s15 =	smul.u32 $0x60000, s15;
	s17 =	sshrl.u32 s17, $0x9;
	s19 =	sshrl.u32 s29, $0x9  }
0x93: {  	s17 =	sand.u32 $0x3, s17;
	s19 =	smul.u32 $0x300, s19  }
0x94: {  	s17 =	smul.u32 $0x30, s17  }
.Ltmp5:
0x95: {  	s16 =	ssub.s32 s16, s19;
	(pc) =	sbr.rel .LBB1_7-.Ltmp5, $4  }
0x96: {  	s15 =	sadd.s32 s3, s15;
	s19 =	sshll.u32 s16, $0x11  }
0x97: {  	s15 =	sadd.s32 s17, s15;
	s16 =	sshrl.u32 s16, $0x4;
	s30 =	sand.u32 $0x1C0000, s19  }
0x98: {  	s15 =	sadd.s32 s16, s15;
	s31 =	sor.u32 $0x8, s30  }
0x99: {  	[hbm4b:s15+s31] =	stream.strided.scatter [tilespmem:s18], [sflag:$0x2], $0x4000, s10, s31, $0x0;
	[tilespmem:$0x11000] =	vst v63  }
.LBB1_8:
0x9a: {  	_ =	sfence.sel $0x180000  }
0x9b: {  	s2 =	simm.s32 $0x1;
	[bflag:$0x0] =	sbarrier.arrive $0xFFFF  }
0x9c: {  	s31 =	simm.s32 $0x2;
	[sflag:s2] =	ssyncpa.u1 $0x1  }
0x9d: {  	[sflag:s31] =	ssyncpa.u1 $0x1  }
0x9e: {  	p0 =	sne.s32 s1, $0x0;
	_ =	strace $0x90000050  }
0x9f: {  	s0 =	sadd.s32 @!p0 $0x100000, s0;
	[bflag:$0x2] =	sbarrier.arrive $0xFFFF  }
0xa0: {  	[sflag:s0] =	ssyncadd.tile.s32 @!p0 $0x1;
	_ =	shalt  }
.Lfunc_end1:
_tile_overlayer_lowered:
.L_overlay_start_2:
0xa1: {  	(tag) =	ssettag $0x2  }
0xa2: {  	s0 =	rddreg [dreg:$0x0];
	s2 =	stileid.u32  }
0xa3: {  	s1 =	rddreg [dreg:$0x1];
	p0 =	sne.s32 s2, $0x0  }
0xa4: {  	s3 =	rddreg [dreg:$0x2];
	[bflag:$0x3] =	sbarrier.arrive $0xFFFF;
	s2 =	simm.s32 @!p0 $0x1C01  }
0xa5: {  	[timem:s3], [sflag:s2] =	dma.local @!p0 [hbm:s0], s1  }
0xa6: {  	s0 =	simm.s32 @!p0 $0x1  }
0xa7: {  	_ =	swait.ge @!p0 [sflag:s0], s1  }
0xa8: {  	s1 =	ssub.s32 @!p0 $0x0, s1;
	[sflag:s0] =	ssyncset.done @!p0 $0x0  }
0xa9: {  	[sflag:s0] =	ssyncadd.s32 @!p0 s1  }
0xaa: {  	[bflag:$0x3] =	sbarrier.arrive $0xFFFF  }
0xab: {  	_ =	shalt  }

</sc_bundles>
